<compile_context>
chip_gen: v7x
topology: tpu7x:2x2x1
jax: 0.10.2.dev20260603
libtpu: 0.0.44.dev20260713+nightly
codegen_flags: <defaults>
</compile_context>

<pallas_src>
import functools

import jax
import jax.numpy as jnp
from jax import lax
from jax.experimental import pallas as pl
from jax.experimental.pallas import tpu as pltpu
from jax.experimental.pallas import tpu_sc as plsc

_K = 20
_NW = 32
_L = 16
_INF = float("inf")


def _rev(x):
    return lax.rev(x, dimensions=(0,))


def _sort_pair(k, v):
    return plsc.sort_key_val(k, v)


def _merge32(lo0, loi0, hi0, hii0, sk, si):
    rk, ri = _rev(sk), _rev(si)
    m = hi0 <= rk
    a = jnp.where(m, hi0, rk)
    ai = jnp.where(m, hii0, ri)
    a, ai = _sort_pair(a, ai)
    rk2, ri2 = _rev(a), _rev(ai)
    m2 = lo0 <= rk2
    lo = jnp.where(m2, lo0, rk2)
    loi = jnp.where(m2, loi0, ri2)
    hi = jnp.where(m2, rk2, lo0)
    hii = jnp.where(m2, ri2, loi0)
    lo, loi = _sort_pair(lo, loi)
    hi, hii = _sort_pair(hi, hii)
    return lo, loi, hi, hii


def _make_sc_knn_gather(F, V):
    QPW = F // _NW
    NCHUNK = F // _L
    W = 3 * _K
    mesh = plsc.VectorSubcoreMesh(core_axis_name="c", subcore_axis_name="s",
                                  num_cores=2, num_subcores=16)

    @functools.partial(
        pl.kernel,
        mesh=mesh,
        compiler_params=pltpu.CompilerParams(needs_layout_passes=False),
        out_type=(jax.ShapeDtypeStruct((F, W), jnp.float32),
                  jax.ShapeDtypeStruct((F, W), jnp.float32),
                  jax.ShapeDtypeStruct((F, W), jnp.float32)),
        scratch_types=[
            pltpu.VMEM((F + _L,), jnp.float32),
            pltpu.VMEM((F + _L,), jnp.float32),
            pltpu.VMEM((F + _L,), jnp.float32),
            pltpu.VMEM((F,), jnp.float32),
            pltpu.VMEM((F + _L,), jnp.int32),
            pltpu.VMEM((V,), jnp.float32),
            pltpu.VMEM((V,), jnp.float32),
            pltpu.VMEM((V,), jnp.float32),
            pltpu.VMEM((F,), jnp.int32),
            pltpu.VMEM((F,), jnp.int32),
            pltpu.VMEM((F,), jnp.int32),
            pltpu.VMEM((QPW, W), jnp.float32),
            pltpu.VMEM((QPW, W), jnp.float32),
            pltpu.VMEM((QPW, W), jnp.float32),
            pltpu.SemaphoreType.DMA,
        ],
    )
    def knn(cx_hbm, cy_hbm, cz_hbm, vx_hbm, vy_hbm, vz_hbm,
            f0_hbm, f1_hbm, f2_hbm,
            nex_hbm, ney_hbm, nez_hbm,
            cx, cy, cz, dbuf, cand_i, vx, vy, vz, f0, f1, f2,
            nxb, nyb, nzb, sem):
        wid = lax.axis_index("s") * 2 + lax.axis_index("c")
        base = wid * QPW
        pltpu.sync_copy(cx_hbm, cx.at[pl.ds(0, F)])
        pltpu.sync_copy(cy_hbm, cy.at[pl.ds(0, F)])
        pltpu.sync_copy(cz_hbm, cz.at[pl.ds(0, F)])
        pltpu.sync_copy(vx_hbm, vx)
        pltpu.sync_copy(vy_hbm, vy)
        pltpu.sync_copy(vz_hbm, vz)
        pltpu.sync_copy(f0_hbm, f0)
        pltpu.sync_copy(f1_hbm, f1)
        pltpu.sync_copy(f2_hbm, f2)
        iota = lax.iota(jnp.int32, _L)

        def per_query(q, carry):
            qxv = cx[pl.ds(base + q, _L)]
            qyv = cy[pl.ds(base + q, _L)]
            qzv = cz[pl.ds(base + q, _L)]
            qx = jnp.full((_L,), qxv[0], jnp.float32)
            qy = jnp.full((_L,), qyv[0], jnp.float32)
            qz = jnp.full((_L,), qzv[0], jnp.float32)

            def p1(i, accs):
                acc_a, acc_b = accs
                o0 = i * (4 * _L)
                for u in range(4):
                    o = o0 + u * _L
                    dx = cx[pl.ds(o, _L)] - qx
                    dy = cy[pl.ds(o, _L)] - qy
                    dz = cz[pl.ds(o, _L)] - qz
                    d2 = (dx * dx + dy * dy) + dz * dz
                    dbuf[pl.ds(o, _L)] = d2
                    if u < 2:
                        acc_a = jnp.minimum(acc_a, d2)
                    else:
                        acc_b = jnp.minimum(acc_b, d2)
                return (acc_a, acc_b)

            acc_a, acc_b = lax.fori_loop(
                0, NCHUNK // 4, p1,
                (jnp.full((_L,), _INF), jnp.full((_L,), _INF)))

            s_a, _ = _sort_pair(acc_a, acc_a)
            s_b, _ = _sort_pair(acc_b, acc_b)
            up = jnp.maximum(s_a, _rev(s_b))
            s_u, _ = _sort_pair(up, up)
            thr = jnp.full((_L,), s_u[_K - 1 - _L], jnp.float32)

            def p2(i, cnt):
                o0 = i * (2 * _L)
                v1 = dbuf[pl.ds(o0, _L)]
                v2 = dbuf[pl.ds(o0 + _L, _L)]
                m1 = v1 <= thr
                m2 = v2 <= thr

                def hit(c):
                    plsc.store_compressed(cand_i.at[pl.ds(c, _L)], iota + o0,
                                          mask=m1)
                    c1 = c + plsc.all_reduce_population_count(m1)[0]
                    plsc.store_compressed(cand_i.at[pl.ds(c1, _L)],
                                          iota + (o0 + _L), mask=m2)
                    return c1 + plsc.all_reduce_population_count(m2)[0]

                return lax.cond(jnp.any(m1 | m2), hit, lambda c: c, cnt)

            cnt = lax.fori_loop(0, NCHUNK // 2, p2, jnp.int32(0))

            nxb[q, pl.ds(0, _L)] = thr + cnt.astype(jnp.float32)
            nyb[q, pl.ds(0, _L)] = qx
            nzb[q, pl.ds(0, _L)] = qy
            return carry

            def p3(j, state):
                lo, loi, hi, hii = state
                iv = cand_i[pl.ds(j * _L, _L)]
                valid = (iota + j * _L) < cnt
                iv = jnp.where(valid, iv, 0)
                vd = plsc.load_gather(dbuf, [iv])
                key = jnp.where(valid, vd, _INF)
                sk, si = _sort_pair(key, iv)
                return _merge32(lo, loi, hi, hii, sk, si)

            nch = (cnt + (_L - 1)) // _L
            init = (jnp.full((_L,), _INF), jnp.zeros((_L,), jnp.int32),
                    jnp.full((_L,), _INF), jnp.zeros((_L,), jnp.int32))
            lo, loi, hi, hii = lax.fori_loop(0, nch, p3, init)

            qfull = jnp.full((_L,), q, jnp.int32)
            for chunk, (ids_raw, msk) in enumerate(
                    ((loi, None), (hii, iota < 4))):
                ids = ids_raw if msk is None else jnp.where(msk, ids_raw, 0)
                fcols = (plsc.load_gather(f0, [ids]),
                         plsc.load_gather(f1, [ids]),
                         plsc.load_gather(f2, [ids]))
                vcoords = []
                for fcol in fcols:
                    vcoords.append((plsc.load_gather(vx, [fcol]),
                                    plsc.load_gather(vy, [fcol]),
                                    plsc.load_gather(vz, [fcol])))
                colbase = (iota + chunk * _L) * 3
                for a in range(3):
                    nxt = vcoords[(a + 1) % 3]
                    cur = vcoords[a]
                    col = colbase + a
                    for comp, obuf in ((0, nxb), (1, nyb), (2, nzb)):
                        val = nxt[comp] - cur[comp]
                        plsc.store_scatter(obuf, [qfull, col], val, mask=msk)
            return carry

        lax.fori_loop(0, QPW, per_query, jnp.int32(0))
        pltpu.sync_copy(nxb, nex_hbm.at[pl.ds(base, QPW)])
        pltpu.sync_copy(nyb, ney_hbm.at[pl.ds(base, QPW)])
        pltpu.sync_copy(nzb, nez_hbm.at[pl.ds(base, QPW)])

    return knn


def _crossing_body(nex_ref, ney_ref, nez_ref, ex_ref, ey_ref, ez_ref,
                   eax_ref, eay_ref, eaz_ref, probs_ref, out_ref):
    nex = nex_ref[...]
    ney = ney_ref[...]
    nez = nez_ref[...]
    eax = eax_ref[...]
    eay = eay_ref[...]
    eaz = eaz_ref[...]
    acc = jnp.zeros_like(nex)
    for j in range(3):
        e_x = ex_ref[:, j:j + 1]
        e_y = ey_ref[:, j:j + 1]
        e_z = ez_ref[:, j:j + 1]
        cp_x = e_y * nez - e_z * ney
        cp_y = e_z * nex - e_x * nez
        cp_z = e_x * ney - e_y * nex
        denom = (cp_x * e_x + cp_y * e_y) + cp_z * e_z
        tnum = (cp_x * nex + cp_y * ney) + cp_z * nez
        unum = (cp_x * eax + cp_y * eay) + cp_z * eaz
        t = tnum / denom
        u = unum / denom
        mask = (t >= 0.0) & (t <= 1.0) & (u >= 0.0) & (u <= 1.0)
        acc = acc + jnp.where(mask, 1.0, 0.0)
    weighted = acc * probs_ref[...]
    out_ref[...] = jnp.sum(weighted, axis=(0, 1), keepdims=True)


def kernel(vertices, faces, face_probs):
    F = faces.shape[0]
    V = vertices.shape[0]
    k = min(_K, F)
    centroids = vertices[faces].mean(axis=1)

    knn = _make_sc_knn_gather(F, V)
    nex, ney, nez = knn(
        centroids[:, 0].copy(), centroids[:, 1].copy(), centroids[:, 2].copy(),
        vertices[:, 0].copy(), vertices[:, 1].copy(), vertices[:, 2].copy(),
        faces[:, 0].copy(), faces[:, 1].copy(), faces[:, 2].copy())

    perm = jnp.array([1, 2, 0])
    edges = vertices[faces[:, perm]] - vertices[faces]
    ex = edges[..., 0]
    ey = edges[..., 1]
    ez = edges[..., 2]
    eax = jnp.tile(ex, (1, k))
    eay = jnp.tile(ey, (1, k))
    eaz = jnp.tile(ez, (1, k))
    probs2 = face_probs[:F, None]

    out = pl.pallas_call(
        _crossing_body,
        out_shape=jax.ShapeDtypeStruct((1, 1), jnp.float32),
    )(nex, ney, nez, ex, ey, ez, eax, eay, eaz, probs2)
    return out[0, 0]

# --- scband reference (transcript-rebuilt; emitter-appended) ---
"""Pipeline reference for scband-edge-crossing-loss-15925738734018 (READ-ONLY COPY).

The authoritative reference and input builder live on the scoring server;
editing this copy changes nothing except your own understanding.
"""

import jax, jax.numpy as jnp
import numpy as np

K = 20


def setup_inputs(seed: int = 0) -> dict:
    key = jax.random.key(seed)
    k1, k2, k3 = jax.random.split(key, 3)
    vertices = jax.random.normal(k1, (10000, 3), dtype=jnp.float32)
    faces = jax.random.randint(k2, (4096, 3), 0, 10000, dtype=jnp.int32)
    face_probs = jax.random.uniform(k3, (4096,), dtype=jnp.float32)
    return {"vertices": vertices, "faces": faces, "face_probs": face_probs}


def _knn_indices(centroids, k):
    # dgl.knn_graph equivalent: for each centroid, indices of its k nearest centroids
    d2 = jnp.sum((centroids[:, None, :] - centroids[None, :, :]) ** 2, axis=-1)
    _, idx = jax.lax.top_k(-d2, k)
    return idx  # [F, k]


def reference(vertices, faces, face_probs):
    F = faces.shape[0]
    face_probs = face_probs[:F]
    # find_nearest_triangles
    centroids = vertices[faces].mean(axis=1)  # [F, 3]
    k = min(K, F)
    nearest = _knn_indices(centroids, k)  # [F, k]
    # detect_edge_crossings (vectorized over the per-face python loop)
    perm = jnp.array([1, 2, 0])
    edges = vertices[faces[:, perm]] - vertices[faces]  # [F, 3, 3]
    nf = faces[nearest]  # [F, k, 3]
    neighbor_edges = vertices[nf[:, :, perm]] - vertices[nf]  # [F, k, 3, 3]
    crossings = jnp.zeros((F,), dtype=jnp.float32)
    for j in range(3):
        edge = edges[:, j][:, None, None, :]  # [F, 1, 1, 3]
        edge_b = jnp.broadcast_to(edge, neighbor_edges.shape)
        cp = jnp.cross(edge_b, neighbor_edges)  # [F, k, 3, 3]
        denom = jnp.sum(cp * edge_b, axis=-1)  # [F, k, 3]
        t = jnp.sum(cp * neighbor_edges, axis=-1) / denom
        u = jnp.sum(cp * edges[:, None, :, :], axis=-1) / denom
        mask = (t >= 0) & (t <= 1) & (u >= 0) & (u <= 1)
        crossings = crossings + jnp.sum(mask, axis=(1, 2)).astype(jnp.float32)
    # calculate_loss
    return jnp.sum(face_probs * crossings)

if __name__ == "__main__":
    import jax
    _d = setup_inputs()
    print(jax.jit(kernel)(*tuple(_d.values())))

</pallas_src>

<mosaic_0001>
#map = affine_map<(d0, d1) -> (0)>
#map1 = affine_map<(d0, d1) -> (0, 0)>
module attributes {stable_mosaic.version = 14 : i64} {
  func.func @knn(%arg0: i32, %arg1: i32, %arg2: memref<4096xf32, #tpu.memory_space<hbm>>, %arg3: memref<4096xf32, #tpu.memory_space<hbm>>, %arg4: memref<4096xf32, #tpu.memory_space<hbm>>, %arg5: memref<10000xf32, #tpu.memory_space<hbm>>, %arg6: memref<10000xf32, #tpu.memory_space<hbm>>, %arg7: memref<10000xf32, #tpu.memory_space<hbm>>, %arg8: memref<4096xi32, #tpu.memory_space<hbm>>, %arg9: memref<4096xi32, #tpu.memory_space<hbm>>, %arg10: memref<4096xi32, #tpu.memory_space<hbm>>, %arg11: memref<4096x60xf32, #tpu.memory_space<hbm>>, %arg12: memref<4096x60xf32, #tpu.memory_space<hbm>>, %arg13: memref<4096x60xf32, #tpu.memory_space<hbm>>, %arg14: memref<4112xf32, #tpu.memory_space<vmem>>, %arg15: memref<4112xf32, #tpu.memory_space<vmem>>, %arg16: memref<4112xf32, #tpu.memory_space<vmem>>, %arg17: memref<4096xf32, #tpu.memory_space<vmem>>, %arg18: memref<4112xi32, #tpu.memory_space<vmem>>, %arg19: memref<10000xf32, #tpu.memory_space<vmem>>, %arg20: memref<10000xf32, #tpu.memory_space<vmem>>, %arg21: memref<10000xf32, #tpu.memory_space<vmem>>, %arg22: memref<4096xi32, #tpu.memory_space<vmem>>, %arg23: memref<4096xi32, #tpu.memory_space<vmem>>, %arg24: memref<4096xi32, #tpu.memory_space<vmem>>, %arg25: memref<128x60xf32, #tpu.memory_space<vmem>>, %arg26: memref<128x60xf32, #tpu.memory_space<vmem>>, %arg27: memref<128x60xf32, #tpu.memory_space<vmem>>, %arg28: memref<!tpu.dma_semaphore, #tpu.memory_space<semaphore_mem>>) attributes {dimension_semantics = [#tpu.dimension_semantics<core_parallel>, #tpu.dimension_semantics<subcore_parallel>], iteration_bounds = array<i64: 2, 16>, scalar_prefetch = 0 : i64, scratch_operands = 15 : i64, tpu.core_type = #tpu.core_type<sc_vector_subcore>, window_params = [{transform_indices = #map}, {transform_indices = #map}, {transform_indices = #map}, {transform_indices = #map}, {transform_indices = #map}, {transform_indices = #map}, {transform_indices = #map}, {transform_indices = #map}, {transform_indices = #map}, {transform_indices = #map1}, {transform_indices = #map1}, {transform_indices = #map1}]} {
    %mul3A = arith.constant 2 : i32
    %mul3A_0 = arith.muli %arg1, %mul3A : i32
    %add3A = arith.addi %mul3A_0, %arg0 : i32
    %mul3A_1 = arith.constant 128 : i32
    %mul3A_2 = arith.muli %add3A, %mul3A_1 : i32
    "tpu.region"() ({
      %run_scoped3A = tpu.sem_alloc : memref<!tpu.dma_semaphore, #tpu.memory_space<semaphore_mem>>
      %dma_start3A = arith.constant 0 : i32
      %dma_start3A_8 = tpu.memref_slice %arg14[%dma_start3A] : memref<4112xf32, #tpu.memory_space<vmem>> -> memref<4096xf32, #tpu.memory_space<vmem>>
      %dma_start3A_9 = arith.constant 0 : i32
      %dma_start3A_10 = tpu.memref_slice %arg14[%dma_start3A_9] : memref<4112xf32, #tpu.memory_space<vmem>> -> memref<4096xf32, #tpu.memory_space<vmem>>
      tpu.enqueue_dma source(%arg2 : memref<4096xf32, #tpu.memory_space<hbm>>) target(%dma_start3A_10 : memref<4096xf32, #tpu.memory_space<vmem>>) target_semaphore(%run_scoped3A : memref<!tpu.dma_semaphore, #tpu.memory_space<semaphore_mem>>)
      %dma_wait3A = arith.constant 0 : i32
      %dma_wait3A_11 = tpu.memref_slice %arg14[%dma_wait3A] : memref<4112xf32, #tpu.memory_space<vmem>> -> memref<4096xf32, #tpu.memory_space<vmem>>
      %dma_wait3A_12 = arith.constant 0 : i32
      %dma_wait3A_13 = tpu.memref_slice %arg14[%dma_wait3A_12] : memref<4112xf32, #tpu.memory_space<vmem>> -> memref<4096xf32, #tpu.memory_space<vmem>>
      tpu.wait_dma2 semaphore(%run_scoped3A : memref<!tpu.dma_semaphore, #tpu.memory_space<semaphore_mem>>) src(%arg2 : memref<4096xf32, #tpu.memory_space<hbm>>) dst(%dma_wait3A_13 : memref<4096xf32, #tpu.memory_space<vmem>>)
      tpu.yield
    }) : () -> ()
    "tpu.region"() ({
      %run_scoped3A = tpu.sem_alloc : memref<!tpu.dma_semaphore, #tpu.memory_space<semaphore_mem>>
      %dma_start3A = arith.constant 0 : i32
      %dma_start3A_8 = tpu.memref_slice %arg15[%dma_start3A] : memref<4112xf32, #tpu.memory_space<vmem>> -> memref<4096xf32, #tpu.memory_space<vmem>>
      %dma_start3A_9 = arith.constant 0 : i32
      %dma_start3A_10 = tpu.memref_slice %arg15[%dma_start3A_9] : memref<4112xf32, #tpu.memory_space<vmem>> -> memref<4096xf32, #tpu.memory_space<vmem>>
      tpu.enqueue_dma source(%arg3 : memref<4096xf32, #tpu.memory_space<hbm>>) target(%dma_start3A_10 : memref<4096xf32, #tpu.memory_space<vmem>>) target_semaphore(%run_scoped3A : memref<!tpu.dma_semaphore, #tpu.memory_space<semaphore_mem>>)
      %dma_wait3A = arith.constant 0 : i32
      %dma_wait3A_11 = tpu.memref_slice %arg15[%dma_wait3A] : memref<4112xf32, #tpu.memory_space<vmem>> -> memref<4096xf32, #tpu.memory_space<vmem>>
      %dma_wait3A_12 = arith.constant 0 : i32
      %dma_wait3A_13 = tpu.memref_slice %arg15[%dma_wait3A_12] : memref<4112xf32, #tpu.memory_space<vmem>> -> memref<4096xf32, #tpu.memory_space<vmem>>
      tpu.wait_dma2 semaphore(%run_scoped3A : memref<!tpu.dma_semaphore, #tpu.memory_space<semaphore_mem>>) src(%arg3 : memref<4096xf32, #tpu.memory_space<hbm>>) dst(%dma_wait3A_13 : memref<4096xf32, #tpu.memory_space<vmem>>)
      tpu.yield
    }) : () -> ()
    "tpu.region"() ({
      %run_scoped3A = tpu.sem_alloc : memref<!tpu.dma_semaphore, #tpu.memory_space<semaphore_mem>>
      %dma_start3A = arith.constant 0 : i32
      %dma_start3A_8 = tpu.memref_slice %arg16[%dma_start3A] : memref<4112xf32, #tpu.memory_space<vmem>> -> memref<4096xf32, #tpu.memory_space<vmem>>
      %dma_start3A_9 = arith.constant 0 : i32
      %dma_start3A_10 = tpu.memref_slice %arg16[%dma_start3A_9] : memref<4112xf32, #tpu.memory_space<vmem>> -> memref<4096xf32, #tpu.memory_space<vmem>>
      tpu.enqueue_dma source(%arg4 : memref<4096xf32, #tpu.memory_space<hbm>>) target(%dma_start3A_10 : memref<4096xf32, #tpu.memory_space<vmem>>) target_semaphore(%run_scoped3A : memref<!tpu.dma_semaphore, #tpu.memory_space<semaphore_mem>>)
      %dma_wait3A = arith.constant 0 : i32
      %dma_wait3A_11 = tpu.memref_slice %arg16[%dma_wait3A] : memref<4112xf32, #tpu.memory_space<vmem>> -> memref<4096xf32, #tpu.memory_space<vmem>>
      %dma_wait3A_12 = arith.constant 0 : i32
      %dma_wait3A_13 = tpu.memref_slice %arg16[%dma_wait3A_12] : memref<4112xf32, #tpu.memory_space<vmem>> -> memref<4096xf32, #tpu.memory_space<vmem>>
      tpu.wait_dma2 semaphore(%run_scoped3A : memref<!tpu.dma_semaphore, #tpu.memory_space<semaphore_mem>>) src(%arg4 : memref<4096xf32, #tpu.memory_space<hbm>>) dst(%dma_wait3A_13 : memref<4096xf32, #tpu.memory_space<vmem>>)
      tpu.yield
    }) : () -> ()
    "tpu.region"() ({
      %run_scoped3A = tpu.sem_alloc : memref<!tpu.dma_semaphore, #tpu.memory_space<semaphore_mem>>
      tpu.enqueue_dma source(%arg5 : memref<10000xf32, #tpu.memory_space<hbm>>) target(%arg19 : memref<10000xf32, #tpu.memory_space<vmem>>) target_semaphore(%run_scoped3A : memref<!tpu.dma_semaphore, #tpu.memory_space<semaphore_mem>>)
      tpu.wait_dma2 semaphore(%run_scoped3A : memref<!tpu.dma_semaphore, #tpu.memory_space<semaphore_mem>>) src(%arg5 : memref<10000xf32, #tpu.memory_space<hbm>>) dst(%arg19 : memref<10000xf32, #tpu.memory_space<vmem>>)
      tpu.yield
    }) : () -> ()
    "tpu.region"() ({
      %run_scoped3A = tpu.sem_alloc : memref<!tpu.dma_semaphore, #tpu.memory_space<semaphore_mem>>
      tpu.enqueue_dma source(%arg6 : memref<10000xf32, #tpu.memory_space<hbm>>) target(%arg20 : memref<10000xf32, #tpu.memory_space<vmem>>) target_semaphore(%run_scoped3A : memref<!tpu.dma_semaphore, #tpu.memory_space<semaphore_mem>>)
      tpu.wait_dma2 semaphore(%run_scoped3A : memref<!tpu.dma_semaphore, #tpu.memory_space<semaphore_mem>>) src(%arg6 : memref<10000xf32, #tpu.memory_space<hbm>>) dst(%arg20 : memref<10000xf32, #tpu.memory_space<vmem>>)
      tpu.yield
    }) : () -> ()
    "tpu.region"() ({
      %run_scoped3A = tpu.sem_alloc : memref<!tpu.dma_semaphore, #tpu.memory_space<semaphore_mem>>
      tpu.enqueue_dma source(%arg7 : memref<10000xf32, #tpu.memory_space<hbm>>) target(%arg21 : memref<10000xf32, #tpu.memory_space<vmem>>) target_semaphore(%run_scoped3A : memref<!tpu.dma_semaphore, #tpu.memory_space<semaphore_mem>>)
      tpu.wait_dma2 semaphore(%run_scoped3A : memref<!tpu.dma_semaphore, #tpu.memory_space<semaphore_mem>>) src(%arg7 : memref<10000xf32, #tpu.memory_space<hbm>>) dst(%arg21 : memref<10000xf32, #tpu.memory_space<vmem>>)
      tpu.yield
    }) : () -> ()
    "tpu.region"() ({
      %run_scoped3A = tpu.sem_alloc : memref<!tpu.dma_semaphore, #tpu.memory_space<semaphore_mem>>
      tpu.enqueue_dma source(%arg8 : memref<4096xi32, #tpu.memory_space<hbm>>) target(%arg22 : memref<4096xi32, #tpu.memory_space<vmem>>) target_semaphore(%run_scoped3A : memref<!tpu.dma_semaphore, #tpu.memory_space<semaphore_mem>>)
      tpu.wait_dma2 semaphore(%run_scoped3A : memref<!tpu.dma_semaphore, #tpu.memory_space<semaphore_mem>>) src(%arg8 : memref<4096xi32, #tpu.memory_space<hbm>>) dst(%arg22 : memref<4096xi32, #tpu.memory_space<vmem>>)
      tpu.yield
    }) : () -> ()
    "tpu.region"() ({
      %run_scoped3A = tpu.sem_alloc : memref<!tpu.dma_semaphore, #tpu.memory_space<semaphore_mem>>
      tpu.enqueue_dma source(%arg9 : memref<4096xi32, #tpu.memory_space<hbm>>) target(%arg23 : memref<4096xi32, #tpu.memory_space<vmem>>) target_semaphore(%run_scoped3A : memref<!tpu.dma_semaphore, #tpu.memory_space<semaphore_mem>>)
      tpu.wait_dma2 semaphore(%run_scoped3A : memref<!tpu.dma_semaphore, #tpu.memory_space<semaphore_mem>>) src(%arg9 : memref<4096xi32, #tpu.memory_space<hbm>>) dst(%arg23 : memref<4096xi32, #tpu.memory_space<vmem>>)
      tpu.yield
    }) : () -> ()
    "tpu.region"() ({
      %run_scoped3A = tpu.sem_alloc : memref<!tpu.dma_semaphore, #tpu.memory_space<semaphore_mem>>
      tpu.enqueue_dma source(%arg10 : memref<4096xi32, #tpu.memory_space<hbm>>) target(%arg24 : memref<4096xi32, #tpu.memory_space<vmem>>) target_semaphore(%run_scoped3A : memref<!tpu.dma_semaphore, #tpu.memory_space<semaphore_mem>>)
      tpu.wait_dma2 semaphore(%run_scoped3A : memref<!tpu.dma_semaphore, #tpu.memory_space<semaphore_mem>>) src(%arg10 : memref<4096xi32, #tpu.memory_space<hbm>>) dst(%arg24 : memref<4096xi32, #tpu.memory_space<vmem>>)
      tpu.yield
    }) : () -> ()
    %iota3A = tpu.iota {dimensions = array<i32: 0>} : vector<16xi32>
    %scan3A = arith.constant 0 : i32
    %scan3A_3 = arith.constant 0 : i32
    %scan3A_4 = arith.constant 128 : i32
    %scan3A_5 = arith.addi %scan3A_3, %scan3A_4 : i32
    %scan3A_6 = arith.constant 1 : i32
    scf.for %scan3A_8 = %scan3A_3 to %scan3A_5 step %scan3A_6  : i32 {
      %add3A_9 = arith.addi %mul3A_2, %scan3A_8 : i32
      %get3A = arith.index_cast %add3A_9 : i32 to index
      %get3A_10 = tpu.vector_load %arg14[%get3A] {strides = array<i32>} : memref<4112xf32, #tpu.memory_space<vmem>>, vector<16xf32>,
      %add3A_11 = arith.addi %mul3A_2, %scan3A_8 : i32
      %get3A_12 = arith.index_cast %add3A_11 : i32 to index
      %get3A_13 = tpu.vector_load %arg15[%get3A_12] {strides = array<i32>} : memref<4112xf32, #tpu.memory_space<vmem>>, vector<16xf32>,
      %add3A_14 = arith.addi %mul3A_2, %scan3A_8 : i32
      %get3A_15 = arith.index_cast %add3A_14 : i32 to index
      %get3A_16 = tpu.vector_load %arg16[%get3A_15] {strides = array<i32>} : memref<4112xf32, #tpu.memory_space<vmem>>, vector<16xf32>,
      %slice3A = vector.extract_strided_slice %get3A_10 {offsets = [0], sizes = [1], strides = [1]} : vector<16xf32> to vector<1xf32>
      %squeeze3A = vector.extract %slice3A[0] : f32 from vector<1xf32>
      %broadcast_in_dim3A = vector.broadcast %squeeze3A : f32 to vector<16xf32>
      %slice3A_17 = vector.extract_strided_slice %get3A_13 {offsets = [0], sizes = [1], strides = [1]} : vector<16xf32> to vector<1xf32>
      %squeeze3A_18 = vector.extract %slice3A_17[0] : f32 from vector<1xf32>
      %broadcast_in_dim3A_19 = vector.broadcast %squeeze3A_18 : f32 to vector<16xf32>
      %slice3A_20 = vector.extract_strided_slice %get3A_16 {offsets = [0], sizes = [1], strides = [1]} : vector<16xf32> to vector<1xf32>
      %squeeze3A_21 = vector.extract %slice3A_20[0] : f32 from vector<1xf32>
      %broadcast_in_dim3A_22 = vector.broadcast %squeeze3A_21 : f32 to vector<16xf32>
      %broadcast_in_dim3A_23 = arith.constant 0x7F800000 : f32
      %broadcast_in_dim3A_24 = vector.broadcast %broadcast_in_dim3A_23 : f32 to vector<16xf32>
      %broadcast_in_dim3A_25 = arith.constant 0x7F800000 : f32
      %broadcast_in_dim3A_26 = vector.broadcast %broadcast_in_dim3A_25 : f32 to vector<16xf32>
      %scan3A_27 = arith.constant 0 : i32
      %scan3A_28 = arith.constant 64 : i32
      %scan3A_29 = arith.addi %scan3A_27, %scan3A_28 : i32
      %scan3A_30 = arith.constant 1 : i32
      %scan3A_31:2 = scf.for %scan3A_68 = %scan3A_27 to %scan3A_29 step %scan3A_30 iter_args(%scan3A_69 = %broadcast_in_dim3A_24, %scan3A_70 = %broadcast_in_dim3A_26) -> (vector<16xf32>, vector<16xf32>)  : i32 {
        %mul3A_71 = arith.constant 64 : i32
        %mul3A_72 = arith.muli %scan3A_68, %mul3A_71 : i32
        %add3A_73 = arith.constant 0 : i32
        %add3A_74 = arith.addi %mul3A_72, %add3A_73 : i32
        %get3A_75 = arith.index_cast %add3A_74 : i32 to index
        %get3A_76 = tpu.vector_load %arg14[%get3A_75] {strides = array<i32>} : memref<4112xf32, #tpu.memory_space<vmem>>, vector<16xf32>,
        %sub3A = arith.subf %get3A_76, %broadcast_in_dim3A : vector<16xf32>
        %get3A_77 = arith.index_cast %add3A_74 : i32 to index
        %get3A_78 = tpu.vector_load %arg15[%get3A_77] {strides = array<i32>} : memref<4112xf32, #tpu.memory_space<vmem>>, vector<16xf32>,
        %sub3A_79 = arith.subf %get3A_78, %broadcast_in_dim3A_19 : vector<16xf32>
        %get3A_80 = arith.index_cast %add3A_74 : i32 to index
        %get3A_81 = tpu.vector_load %arg16[%get3A_80] {strides = array<i32>} : memref<4112xf32, #tpu.memory_space<vmem>>, vector<16xf32>,
        %sub3A_82 = arith.subf %get3A_81, %broadcast_in_dim3A_22 : vector<16xf32>
        %mul3A_83 = arith.mulf %sub3A, %sub3A : vector<16xf32>
        %mul3A_84 = arith.mulf %sub3A_79, %sub3A_79 : vector<16xf32>
        %add3A_85 = arith.addf %mul3A_83, %mul3A_84 : vector<16xf32>
        %mul3A_86 = arith.mulf %sub3A_82, %sub3A_82 : vector<16xf32>
        %add3A_87 = arith.addf %add3A_85, %mul3A_86 : vector<16xf32>
        %swap3A_88 = arith.index_cast %add3A_74 : i32 to index
        %swap3A_89 = tpu.vector_load %arg17[%swap3A_88] {strides = array<i32>} : memref<4096xf32, #tpu.memory_space<vmem>>, vector<16xf32>,
        tpu.vector_store %arg17[%swap3A_88], %add3A_87 {strides = array<i32>} : memref<4096xf32, #tpu.memory_space<vmem>>, vector<16xf32>,
        %min3A = arith.minimumf %scan3A_69, %add3A_87 : vector<16xf32>
        %add3A_90 = arith.constant 16 : i32
        %add3A_91 = arith.addi %mul3A_72, %add3A_90 : i32
        %get3A_92 = arith.index_cast %add3A_91 : i32 to index
        %get3A_93 = tpu.vector_load %arg14[%get3A_92] {strides = array<i32>} : memref<4112xf32, #tpu.memory_space<vmem>>, vector<16xf32>,
        %sub3A_94 = arith.subf %get3A_93, %broadcast_in_dim3A : vector<16xf32>
        %get3A_95 = arith.index_cast %add3A_91 : i32 to index
        %get3A_96 = tpu.vector_load %arg15[%get3A_95] {strides = array<i32>} : memref<4112xf32, #tpu.memory_space<vmem>>, vector<16xf32>,
        %sub3A_97 = arith.subf %get3A_96, %broadcast_in_dim3A_19 : vector<16xf32>
        %get3A_98 = arith.index_cast %add3A_91 : i32 to index
        %get3A_99 = tpu.vector_load %arg16[%get3A_98] {strides = array<i32>} : memref<4112xf32, #tpu.memory_space<vmem>>, vector<16xf32>,
        %sub3A_100 = arith.subf %get3A_99, %broadcast_in_dim3A_22 : vector<16xf32>
        %mul3A_101 = arith.mulf %sub3A_94, %sub3A_94 : vector<16xf32>
        %mul3A_102 = arith.mulf %sub3A_97, %sub3A_97 : vector<16xf32>
        %add3A_103 = arith.addf %mul3A_101, %mul3A_102 : vector<16xf32>
        %mul3A_104 = arith.mulf %sub3A_100, %sub3A_100 : vector<16xf32>
        %add3A_105 = arith.addf %add3A_103, %mul3A_104 : vector<16xf32>
        %swap3A_106 = arith.index_cast %add3A_91 : i32 to index
        %swap3A_107 = tpu.vector_load %arg17[%swap3A_106] {strides = array<i32>} : memref<4096xf32, #tpu.memory_space<vmem>>, vector<16xf32>,
        tpu.vector_store %arg17[%swap3A_106], %add3A_105 {strides = array<i32>} : memref<4096xf32, #tpu.memory_space<vmem>>, vector<16xf32>,
        %min3A_108 = arith.minimumf %min3A, %add3A_105 : vector<16xf32>
        %add3A_109 = arith.constant 32 : i32
        %add3A_110 = arith.addi %mul3A_72, %add3A_109 : i32
        %get3A_111 = arith.index_cast %add3A_110 : i32 to index
        %get3A_112 = tpu.vector_load %arg14[%get3A_111] {strides = array<i32>} : memref<4112xf32, #tpu.memory_space<vmem>>, vector<16xf32>,
        %sub3A_113 = arith.subf %get3A_112, %broadcast_in_dim3A : vector<16xf32>
        %get3A_114 = arith.index_cast %add3A_110 : i32 to index
        %get3A_115 = tpu.vector_load %arg15[%get3A_114] {strides = array<i32>} : memref<4112xf32, #tpu.memory_space<vmem>>, vector<16xf32>,
        %sub3A_116 = arith.subf %get3A_115, %broadcast_in_dim3A_19 : vector<16xf32>
        %get3A_117 = arith.index_cast %add3A_110 : i32 to index
        %get3A_118 = tpu.vector_load %arg16[%get3A_117] {strides = array<i32>} : memref<4112xf32, #tpu.memory_space<vmem>>, vector<16xf32>,
        %sub3A_119 = arith.subf %get3A_118, %broadcast_in_dim3A_22 : vector<16xf32>
        %mul3A_120 = arith.mulf %sub3A_113, %sub3A_113 : vector<16xf32>
        %mul3A_121 = arith.mulf %sub3A_116, %sub3A_116 : vector<16xf32>
        %add3A_122 = arith.addf %mul3A_120, %mul3A_121 : vector<16xf32>
        %mul3A_123 = arith.mulf %sub3A_119, %sub3A_119 : vector<16xf32>
        %add3A_124 = arith.addf %add3A_122, %mul3A_123 : vector<16xf32>
        %swap3A_125 = arith.index_cast %add3A_110 : i32 to index
        %swap3A_126 = tpu.vector_load %arg17[%swap3A_125] {strides = array<i32>} : memref<4096xf32, #tpu.memory_space<vmem>>, vector<16xf32>,
        tpu.vector_store %arg17[%swap3A_125], %add3A_124 {strides = array<i32>} : memref<4096xf32, #tpu.memory_space<vmem>>, vector<16xf32>,
        %min3A_127 = arith.minimumf %scan3A_70, %add3A_124 : vector<16xf32>
        %add3A_128 = arith.constant 48 : i32
        %add3A_129 = arith.addi %mul3A_72, %add3A_128 : i32
        %get3A_130 = arith.index_cast %add3A_129 : i32 to index
        %get3A_131 = tpu.vector_load %arg14[%get3A_130] {strides = array<i32>} : memref<4112xf32, #tpu.memory_space<vmem>>, vector<16xf32>,
        %sub3A_132 = arith.subf %get3A_131, %broadcast_in_dim3A : vector<16xf32>
        %get3A_133 = arith.index_cast %add3A_129 : i32 to index
        %get3A_134 = tpu.vector_load %arg15[%get3A_133] {strides = array<i32>} : memref<4112xf32, #tpu.memory_space<vmem>>, vector<16xf32>,
        %sub3A_135 = arith.subf %get3A_134, %broadcast_in_dim3A_19 : vector<16xf32>
        %get3A_136 = arith.index_cast %add3A_129 : i32 to index
        %get3A_137 = tpu.vector_load %arg16[%get3A_136] {strides = array<i32>} : memref<4112xf32, #tpu.memory_space<vmem>>, vector<16xf32>,
        %sub3A_138 = arith.subf %get3A_137, %broadcast_in_dim3A_22 : vector<16xf32>
        %mul3A_139 = arith.mulf %sub3A_132, %sub3A_132 : vector<16xf32>
        %mul3A_140 = arith.mulf %sub3A_135, %sub3A_135 : vector<16xf32>
        %add3A_141 = arith.addf %mul3A_139, %mul3A_140 : vector<16xf32>
        %mul3A_142 = arith.mulf %sub3A_138, %sub3A_138 : vector<16xf32>
        %add3A_143 = arith.addf %add3A_141, %mul3A_142 : vector<16xf32>
        %swap3A_144 = arith.index_cast %add3A_129 : i32 to index
        %swap3A_145 = tpu.vector_load %arg17[%swap3A_144] {strides = array<i32>} : memref<4096xf32, #tpu.memory_space<vmem>>, vector<16xf32>,
        tpu.vector_store %arg17[%swap3A_144], %add3A_143 {strides = array<i32>} : memref<4096xf32, #tpu.memory_space<vmem>>, vector<16xf32>,
        %min3A_146 = arith.minimumf %min3A_127, %add3A_143 : vector<16xf32>
        scf.yield %min3A_108, %min3A_146 : vector<16xf32>, vector<16xf32>
      }
      %scan3A_32 = arith.constant 64 : i32
      %masked_sort3A = arith.constant dense<true> : vector<16xi1>
      %masked_sort3A_33, %masked_sort3A_34, %masked_sort3A_35 = tpu.sort %scan3A_31#0, %scan3A_31#0 masked %masked_sort3A : (vector<16xf32>, vector<16xf32>, vector<16xi1>) -> (vector<16xi1>, vector<16xf32>, vector<16xf32>)
      %masked_sort3A_36 = arith.constant dense<true> : vector<16xi1>
      %masked_sort3A_37, %masked_sort3A_38, %masked_sort3A_39 = tpu.sort %scan3A_31#1, %scan3A_31#1 masked %masked_sort3A_36 : (vector<16xf32>, vector<16xf32>, vector<16xi1>) -> (vector<16xi1>, vector<16xf32>, vector<16xf32>)
      %rev3A = arith.constant 15 : i32
      %rev3A_40 = vector.broadcast %rev3A : i32 to vector<16xi32>
      %rev3A_41 = tpu.iota {dimensions = array<i32: 0>} : vector<16xi32>
      %rev3A_42 = arith.subi %rev3A_40, %rev3A_41 : vector<16xi32>
      %rev3A_43 = tpu.dynamic_gather %masked_sort3A_38[%rev3A_42] in [0] : vector<16xf32>, vector<16xi32> -> vector<16xf32>
      %max3A = arith.maximumf %masked_sort3A_34, %rev3A_43 : vector<16xf32>
      %masked_sort3A_44 = arith.constant dense<true> : vector<16xi1>
      %masked_sort3A_45, %masked_sort3A_46, %masked_sort3A_47 = tpu.sort %max3A, %max3A masked %masked_sort3A_44 : (vector<16xf32>, vector<16xf32>, vector<16xi1>) -> (vector<16xi1>, vector<16xf32>, vector<16xf32>)
      %slice3A_48 = vector.extract_strided_slice %masked_sort3A_46 {offsets = [3], sizes = [1], strides = [1]} : vector<16xf32> to vector<1xf32>
      %squeeze3A_49 = vector.extract %slice3A_48[0] : f32 from vector<1xf32>
      %broadcast_in_dim3A_50 = vector.broadcast %squeeze3A_49 : f32 to vector<16xf32>
      %scan3A_51 = arith.constant 0 : i32
      %scan3A_52 = arith.constant 0 : i32
      %scan3A_53 = arith.constant 128 : i32
      %scan3A_54 = arith.addi %scan3A_52, %scan3A_53 : i32
      %scan3A_55 = arith.constant 1 : i32
      %scan3A_56 = scf.for %scan3A_68 = %scan3A_52 to %scan3A_54 step %scan3A_55 iter_args(%scan3A_69 = %scan3A_51) -> (i32)  : i32 {
        %mul3A_70 = arith.constant 32 : i32
        %mul3A_71 = arith.muli %scan3A_68, %mul3A_70 : i32
        %get3A_72 = arith.index_cast %mul3A_71 : i32 to index
        %get3A_73 = tpu.vector_load %arg17[%get3A_72] {strides = array<i32>} : memref<4096xf32, #tpu.memory_space<vmem>>, vector<16xf32>,
        %add3A_74 = arith.constant 16 : i32
        %add3A_75 = arith.addi %mul3A_71, %add3A_74 : i32
        %get3A_76 = arith.index_cast %add3A_75 : i32 to index
        %get3A_77 = tpu.vector_load %arg17[%get3A_76] {strides = array<i32>} : memref<4096xf32, #tpu.memory_space<vmem>>, vector<16xf32>,
        %le3A = arith.cmpf ole, %get3A_73, %broadcast_in_dim3A_50 : vector<16xf32>
        %le3A_78 = arith.cmpf ole, %get3A_77, %broadcast_in_dim3A_50 : vector<16xf32>
        %or3A = arith.ori %le3A, %le3A_78 : vector<16xi1>
        %reduce_or3A = arith.constant 1.000000e+00 : f32
        %reduce_or3A_79 = arith.constant 0.000000e+00 : f32
        %reduce_or3A_80 = vector.broadcast %reduce_or3A : f32 to vector<16xf32>
        %reduce_or3A_81 = vector.broadcast %reduce_or3A_79 : f32 to vector<16xf32>
        %reduce_or3A_82 = arith.select %or3A, %reduce_or3A_80, %reduce_or3A_81 : vector<16xi1>, vector<16xf32>
        %reduce_or3A_83 = arith.constant true
        %reduce_or3A_84 = vector.broadcast %reduce_or3A_83 : i1 to vector<16xi1>
        %reduce_or3A_85 = tpu.scan <max>, %reduce_or3A_82 masked %reduce_or3A_84 : vector<16xf32>, vector<16xi1> -> vector<16xf32>
        %reduce_or3A_86 = vector.extract %reduce_or3A_85[15] : f32 from vector<16xf32>
        %reduce_or3A_87 = arith.constant 0.000000e+00 : f32
        %reduce_or3A_88 = arith.cmpf ogt, %reduce_or3A_86, %reduce_or3A_87 : f32
        %convert_element_type3A_89 = arith.extui %reduce_or3A_88 : i1 to i32
        %cond3A = arith.constant 0 : i32
        %cond3A_90 = arith.cmpi ne, %convert_element_type3A_89, %cond3A : i32
        %cond3A_91 = scf.if %cond3A_90 -> (i32) {
          %add3A_92 = vector.broadcast %mul3A_71 : i32 to vector<16xi32>
          %add3A_93 = arith.addi %iota3A, %add3A_92 : vector<16xi32>
          %swap3A_94 = arith.index_cast %scan3A_69 : i32 to index
          %swap3A_95 = tpu.vector_load %arg18[%swap3A_94] masked %le3A {strides = array<i32>} : memref<4112xi32, #tpu.memory_space<vmem>>, vector<16xi32>, vector<16xi1>
          tpu.vector_store %arg18[%swap3A_94], %add3A_93 masked %le3A {strides = array<i32>} : memref<4112xi32, #tpu.memory_space<vmem>>, vector<16xi32>, vector<16xi1>
          %all_reduce_population_count3A = tpu.all_reduce %le3A {dim = 0 : i64, kind = #tpu.reduction_kind<sum>} : vector<16xi1> -> vector<16xi32>
          %slice3A_96 = vector.extract_strided_slice %all_reduce_population_count3A {offsets = [0], sizes = [1], strides = [1]} : vector<16xi32> to vector<1xi32>
          %squeeze3A_97 = vector.extract %slice3A_96[0] : i32 from vector<1xi32>
          %add3A_98 = arith.addi %scan3A_69, %squeeze3A_97 : i32
          %add3A_99 = arith.constant 16 : i32
          %add3A_100 = arith.addi %mul3A_71, %add3A_99 : i32
          %add3A_101 = vector.broadcast %add3A_100 : i32 to vector<16xi32>
          %add3A_102 = arith.addi %iota3A, %add3A_101 : vector<16xi32>
          %swap3A_103 = arith.index_cast %add3A_98 : i32 to index
          %swap3A_104 = tpu.vector_load %arg18[%swap3A_103] masked %le3A_78 {strides = array<i32>} : memref<4112xi32, #tpu.memory_space<vmem>>, vector<16xi32>, vector<16xi1>
          tpu.vector_store %arg18[%swap3A_103], %add3A_102 masked %le3A_78 {strides = array<i32>} : memref<4112xi32, #tpu.memory_space<vmem>>, vector<16xi32>, vector<16xi1>
          %all_reduce_population_count3A_105 = tpu.all_reduce %le3A_78 {dim = 0 : i64, kind = #tpu.reduction_kind<sum>} : vector<16xi1> -> vector<16xi32>
          %slice3A_106 = vector.extract_strided_slice %all_reduce_population_count3A_105 {offsets = [0], sizes = [1], strides = [1]} : vector<16xi32> to vector<1xi32>
          %squeeze3A_107 = vector.extract %slice3A_106[0] : i32 from vector<1xi32>
          %add3A_108 = arith.addi %add3A_98, %squeeze3A_107 : i32
          scf.yield %add3A_108 : i32
        } else {
          scf.yield %scan3A_69 : i32
        }
        scf.yield %cond3A_91 : i32
      }
      %scan3A_57 = arith.constant 128 : i32
      %convert_element_type3A = arith.sitofp %scan3A_56 : i32 to f32
      %add3A_58 = vector.broadcast %convert_element_type3A : f32 to vector<16xf32>
      %add3A_59 = arith.addf %broadcast_in_dim3A_50, %add3A_58 : vector<16xf32>
      %swap3A = arith.index_cast %scan3A_8 : i32 to index
      %swap3A_60 = arith.constant 0 : index
      %swap3A_61 = tpu.vector_load %arg25[%swap3A, %swap3A_60] {strides = array<i32>} : memref<128x60xf32, #tpu.memory_space<vmem>>, vector<16xf32>,
      tpu.vector_store %arg25[%swap3A, %swap3A_60], %add3A_59 {strides = array<i32>} : memref<128x60xf32, #tpu.memory_space<vmem>>, vector<16xf32>,
      %swap3A_62 = arith.index_cast %scan3A_8 : i32 to index
      %swap3A_63 = arith.constant 0 : index
      %swap3A_64 = tpu.vector_load %arg26[%swap3A_62, %swap3A_63] {strides = array<i32>} : memref<128x60xf32, #tpu.memory_space<vmem>>, vector<16xf32>,
      tpu.vector_store %arg26[%swap3A_62, %swap3A_63], %broadcast_in_dim3A {strides = array<i32>} : memref<128x60xf32, #tpu.memory_space<vmem>>, vector<16xf32>,
      %swap3A_65 = arith.index_cast %scan3A_8 : i32 to index
      %swap3A_66 = arith.constant 0 : index
      %swap3A_67 = tpu.vector_load %arg27[%swap3A_65, %swap3A_66] {strides = array<i32>} : memref<128x60xf32, #tpu.memory_space<vmem>>, vector<16xf32>,
      tpu.vector_store %arg27[%swap3A_65, %swap3A_66], %broadcast_in_dim3A_19 {strides = array<i32>} : memref<128x60xf32, #tpu.memory_space<vmem>>, vector<16xf32>,
    }
    %scan3A_7 = arith.constant 128 : i32
    "tpu.region"() ({
      %run_scoped3A = tpu.sem_alloc : memref<!tpu.dma_semaphore, #tpu.memory_space<semaphore_mem>>
      %dma_start3A = arith.constant 0 : i32
      %dma_start3A_8 = tpu.memref_slice %arg11[%mul3A_2, %dma_start3A] : memref<4096x60xf32, #tpu.memory_space<hbm>> -> memref<128x60xf32, #tpu.memory_space<hbm>>
      %dma_start3A_9 = arith.constant 0 : i32
      %dma_start3A_10 = tpu.memref_slice %arg11[%mul3A_2, %dma_start3A_9] : memref<4096x60xf32, #tpu.memory_space<hbm>> -> memref<128x60xf32, #tpu.memory_space<hbm>>
      tpu.enqueue_dma source(%arg25 : memref<128x60xf32, #tpu.memory_space<vmem>>) target(%dma_start3A_10 : memref<128x60xf32, #tpu.memory_space<hbm>>) target_semaphore(%run_scoped3A : memref<!tpu.dma_semaphore, #tpu.memory_space<semaphore_mem>>)
      %dma_wait3A = arith.constant 0 : i32
      %dma_wait3A_11 = tpu.memref_slice %arg11[%mul3A_2, %dma_wait3A] : memref<4096x60xf32, #tpu.memory_space<hbm>> -> memref<128x60xf32, #tpu.memory_space<hbm>>
      %dma_wait3A_12 = arith.constant 0 : i32
      %dma_wait3A_13 = tpu.memref_slice %arg11[%mul3A_2, %dma_wait3A_12] : memref<4096x60xf32, #tpu.memory_space<hbm>> -> memref<128x60xf32, #tpu.memory_space<hbm>>
      tpu.wait_dma2 semaphore(%run_scoped3A : memref<!tpu.dma_semaphore, #tpu.memory_space<semaphore_mem>>) src(%arg25 : memref<128x60xf32, #tpu.memory_space<vmem>>) dst(%dma_wait3A_13 : memref<128x60xf32, #tpu.memory_space<hbm>>)
      tpu.yield
    }) : () -> ()
    "tpu.region"() ({
      %run_scoped3A = tpu.sem_alloc : memref<!tpu.dma_semaphore, #tpu.memory_space<semaphore_mem>>
      %dma_start3A = arith.constant 0 : i32
      %dma_start3A_8 = tpu.memref_slice %arg12[%mul3A_2, %dma_start3A] : memref<4096x60xf32, #tpu.memory_space<hbm>> -> memref<128x60xf32, #tpu.memory_space<hbm>>
      %dma_start3A_9 = arith.constant 0 : i32
      %dma_start3A_10 = tpu.memref_slice %arg12[%mul3A_2, %dma_start3A_9] : memref<4096x60xf32, #tpu.memory_space<hbm>> -> memref<128x60xf32, #tpu.memory_space<hbm>>
      tpu.enqueue_dma source(%arg26 : memref<128x60xf32, #tpu.memory_space<vmem>>) target(%dma_start3A_10 : memref<128x60xf32, #tpu.memory_space<hbm>>) target_semaphore(%run_scoped3A : memref<!tpu.dma_semaphore, #tpu.memory_space<semaphore_mem>>)
      %dma_wait3A = arith.constant 0 : i32
      %dma_wait3A_11 = tpu.memref_slice %arg12[%mul3A_2, %dma_wait3A] : memref<4096x60xf32, #tpu.memory_space<hbm>> -> memref<128x60xf32, #tpu.memory_space<hbm>>
      %dma_wait3A_12 = arith.constant 0 : i32
      %dma_wait3A_13 = tpu.memref_slice %arg12[%mul3A_2, %dma_wait3A_12] : memref<4096x60xf32, #tpu.memory_space<hbm>> -> memref<128x60xf32, #tpu.memory_space<hbm>>
      tpu.wait_dma2 semaphore(%run_scoped3A : memref<!tpu.dma_semaphore, #tpu.memory_space<semaphore_mem>>) src(%arg26 : memref<128x60xf32, #tpu.memory_space<vmem>>) dst(%dma_wait3A_13 : memref<128x60xf32, #tpu.memory_space<hbm>>)
      tpu.yield
    }) : () -> ()
    "tpu.region"() ({
      %run_scoped3A = tpu.sem_alloc : memref<!tpu.dma_semaphore, #tpu.memory_space<semaphore_mem>>
      %dma_start3A = arith.constant 0 : i32
      %dma_start3A_8 = tpu.memref_slice %arg13[%mul3A_2, %dma_start3A] : memref<4096x60xf32, #tpu.memory_space<hbm>> -> memref<128x60xf32, #tpu.memory_space<hbm>>
      %dma_start3A_9 = arith.constant 0 : i32
      %dma_start3A_10 = tpu.memref_slice %arg13[%mul3A_2, %dma_start3A_9] : memref<4096x60xf32, #tpu.memory_space<hbm>> -> memref<128x60xf32, #tpu.memory_space<hbm>>
      tpu.enqueue_dma source(%arg27 : memref<128x60xf32, #tpu.memory_space<vmem>>) target(%dma_start3A_10 : memref<128x60xf32, #tpu.memory_space<hbm>>) target_semaphore(%run_scoped3A : memref<!tpu.dma_semaphore, #tpu.memory_space<semaphore_mem>>)
      %dma_wait3A = arith.constant 0 : i32
      %dma_wait3A_11 = tpu.memref_slice %arg13[%mul3A_2, %dma_wait3A] : memref<4096x60xf32, #tpu.memory_space<hbm>> -> memref<128x60xf32, #tpu.memory_space<hbm>>
      %dma_wait3A_12 = arith.constant 0 : i32
      %dma_wait3A_13 = tpu.memref_slice %arg13[%mul3A_2, %dma_wait3A_12] : memref<4096x60xf32, #tpu.memory_space<hbm>> -> memref<128x60xf32, #tpu.memory_space<hbm>>
      tpu.wait_dma2 semaphore(%run_scoped3A : memref<!tpu.dma_semaphore, #tpu.memory_space<semaphore_mem>>) src(%arg27 : memref<128x60xf32, #tpu.memory_space<vmem>>) dst(%dma_wait3A_13 : memref<128x60xf32, #tpu.memory_space<hbm>>)
      tpu.yield
    }) : () -> ()
    return
  }
}

module attributes {stable_mosaic.version = 14 : i64} {
  func.func @_crossing_body(%arg0: memref<4096x60xf32, #tpu.memory_space<vmem>>, %arg1: memref<4096x60xf32, #tpu.memory_space<vmem>>, %arg2: memref<4096x60xf32, #tpu.memory_space<vmem>>, %arg3: memref<4096x3xf32, #tpu.memory_space<vmem>>, %arg4: memref<4096x3xf32, #tpu.memory_space<vmem>>, %arg5: memref<4096x3xf32, #tpu.memory_space<vmem>>, %arg6: memref<4096x60xf32, #tpu.memory_space<vmem>>, %arg7: memref<4096x60xf32, #tpu.memory_space<vmem>>, %arg8: memref<4096x60xf32, #tpu.memory_space<vmem>>, %arg9: memref<4096x1xf32, #tpu.memory_space<vmem>>, %arg10: memref<1x1xf32, #tpu.memory_space<vmem>>) attributes {dimension_semantics = [], scalar_prefetch = 0 : i64, scratch_operands = 0 : i64, tpu.core_type = #tpu.core_type<tc>} {
    %get3A = arith.constant 0 : index
    %get3A_0 = arith.constant 0 : index
    %get3A_1 = vector.load %arg0[%get3A, %get3A_0] : memref<4096x60xf32, #tpu.memory_space<vmem>>, vector<4096x60xf32>
    %get3A_2 = arith.constant 0 : index
    %get3A_3 = arith.constant 0 : index
    %get3A_4 = vector.load %arg1[%get3A_2, %get3A_3] : memref<4096x60xf32, #tpu.memory_space<vmem>>, vector<4096x60xf32>
    %get3A_5 = arith.constant 0 : index
    %get3A_6 = arith.constant 0 : index
    %get3A_7 = vector.load %arg2[%get3A_5, %get3A_6] : memref<4096x60xf32, #tpu.memory_space<vmem>>, vector<4096x60xf32>
    %get3A_8 = arith.constant 0 : index
    %get3A_9 = arith.constant 0 : index
    %get3A_10 = vector.load %arg6[%get3A_8, %get3A_9] : memref<4096x60xf32, #tpu.memory_space<vmem>>, vector<4096x60xf32>
    %get3A_11 = arith.constant 0 : index
    %get3A_12 = arith.constant 0 : index
    %get3A_13 = vector.load %arg7[%get3A_11, %get3A_12] : memref<4096x60xf32, #tpu.memory_space<vmem>>, vector<4096x60xf32>
    %get3A_14 = arith.constant 0 : index
    %get3A_15 = arith.constant 0 : index
    %get3A_16 = vector.load %arg8[%get3A_14, %get3A_15] : memref<4096x60xf32, #tpu.memory_space<vmem>>, vector<4096x60xf32>
    %broadcast_in_dim3A = arith.constant 0.000000e+00 : f32
    %broadcast_in_dim3A_17 = vector.broadcast %broadcast_in_dim3A : f32 to vector<4096x60xf32>
    %get3A_18 = arith.constant 0 : index
    %get3A_19 = arith.constant 0 : index
    %get3A_20 = vector.load %arg3[%get3A_18, %get3A_19] : memref<4096x3xf32, #tpu.memory_space<vmem>>, vector<4096x1xf32>
    %get3A_21 = arith.constant 0 : index
    %get3A_22 = arith.constant 0 : index
    %get3A_23 = vector.load %arg4[%get3A_21, %get3A_22] : memref<4096x3xf32, #tpu.memory_space<vmem>>, vector<4096x1xf32>
    %get3A_24 = arith.constant 0 : index
    %get3A_25 = arith.constant 0 : index
    %get3A_26 = vector.load %arg5[%get3A_24, %get3A_25] : memref<4096x3xf32, #tpu.memory_space<vmem>>, vector<4096x1xf32>
    %mul3A = vector.broadcast %get3A_23 : vector<4096x1xf32> to vector<4096x60xf32>
    %mul3A_27 = arith.mulf %mul3A, %get3A_7 : vector<4096x60xf32>
    %mul3A_28 = vector.broadcast %get3A_26 : vector<4096x1xf32> to vector<4096x60xf32>
    %mul3A_29 = arith.mulf %mul3A_28, %get3A_4 : vector<4096x60xf32>
    %sub3A = arith.subf %mul3A_27, %mul3A_29 : vector<4096x60xf32>
    %mul3A_30 = vector.broadcast %get3A_26 : vector<4096x1xf32> to vector<4096x60xf32>
    %mul3A_31 = arith.mulf %mul3A_30, %get3A_1 : vector<4096x60xf32>
    %mul3A_32 = vector.broadcast %get3A_20 : vector<4096x1xf32> to vector<4096x60xf32>
    %mul3A_33 = arith.mulf %mul3A_32, %get3A_7 : vector<4096x60xf32>
    %sub3A_34 = arith.subf %mul3A_31, %mul3A_33 : vector<4096x60xf32>
    %mul3A_35 = vector.broadcast %get3A_20 : vector<4096x1xf32> to vector<4096x60xf32>
    %mul3A_36 = arith.mulf %mul3A_35, %get3A_4 : vector<4096x60xf32>
    %mul3A_37 = vector.broadcast %get3A_23 : vector<4096x1xf32> to vector<4096x60xf32>
    %mul3A_38 = arith.mulf %mul3A_37, %get3A_1 : vector<4096x60xf32>
    %sub3A_39 = arith.subf %mul3A_36, %mul3A_38 : vector<4096x60xf32>
    %mul3A_40 = vector.broadcast %get3A_20 : vector<4096x1xf32> to vector<4096x60xf32>
    %mul3A_41 = arith.mulf %sub3A, %mul3A_40 : vector<4096x60xf32>
    %mul3A_42 = vector.broadcast %get3A_23 : vector<4096x1xf32> to vector<4096x60xf32>
    %mul3A_43 = arith.mulf %sub3A_34, %mul3A_42 : vector<4096x60xf32>
    %add3A = arith.addf %mul3A_41, %mul3A_43 : vector<4096x60xf32>
    %mul3A_44 = vector.broadcast %get3A_26 : vector<4096x1xf32> to vector<4096x60xf32>
    %mul3A_45 = arith.mulf %sub3A_39, %mul3A_44 : vector<4096x60xf32>
    %add3A_46 = arith.addf %add3A, %mul3A_45 : vector<4096x60xf32>
    %mul3A_47 = arith.mulf %sub3A, %get3A_1 : vector<4096x60xf32>
    %mul3A_48 = arith.mulf %sub3A_34, %get3A_4 : vector<4096x60xf32>
    %add3A_49 = arith.addf %mul3A_47, %mul3A_48 : vector<4096x60xf32>
    %mul3A_50 = arith.mulf %sub3A_39, %get3A_7 : vector<4096x60xf32>
    %add3A_51 = arith.addf %add3A_49, %mul3A_50 : vector<4096x60xf32>
    %mul3A_52 = arith.mulf %sub3A, %get3A_10 : vector<4096x60xf32>
    %mul3A_53 = arith.mulf %sub3A_34, %get3A_13 : vector<4096x60xf32>
    %add3A_54 = arith.addf %mul3A_52, %mul3A_53 : vector<4096x60xf32>
    %mul3A_55 = arith.mulf %sub3A_39, %get3A_16 : vector<4096x60xf32>
    %add3A_56 = arith.addf %add3A_54, %mul3A_55 : vector<4096x60xf32>
    %div3A = arith.divf %add3A_51, %add3A_46 : vector<4096x60xf32>
    %div3A_57 = arith.divf %add3A_56, %add3A_46 : vector<4096x60xf32>
    %ge3A = arith.constant 0.000000e+00 : f32
    %ge3A_58 = vector.broadcast %ge3A : f32 to vector<4096x60xf32>
    %ge3A_59 = arith.cmpf oge, %div3A, %ge3A_58 : vector<4096x60xf32>
    %le3A = arith.constant 1.000000e+00 : f32
    %le3A_60 = vector.broadcast %le3A : f32 to vector<4096x60xf32>
    %le3A_61 = arith.cmpf ole, %div3A, %le3A_60 : vector<4096x60xf32>
    %and3A = arith.andi %ge3A_59, %le3A_61 : vector<4096x60xi1>
    %ge3A_62 = arith.constant 0.000000e+00 : f32
    %ge3A_63 = vector.broadcast %ge3A_62 : f32 to vector<4096x60xf32>
    %ge3A_64 = arith.cmpf oge, %div3A_57, %ge3A_63 : vector<4096x60xf32>
    %and3A_65 = arith.andi %and3A, %ge3A_64 : vector<4096x60xi1>
    %le3A_66 = arith.constant 1.000000e+00 : f32
    %le3A_67 = vector.broadcast %le3A_66 : f32 to vector<4096x60xf32>
    %le3A_68 = arith.cmpf ole, %div3A_57, %le3A_67 : vector<4096x60xf32>
    %and3A_69 = arith.andi %and3A_65, %le3A_68 : vector<4096x60xi1>
    %jit3A = arith.constant 1.000000e+00 : f32
    %jit3A_70 = arith.constant 0.000000e+00 : f32
    %broadcast_in_dim3A_71 = vector.broadcast %jit3A : f32 to vector<4096x60xf32>
    %broadcast_in_dim3A_72 = vector.broadcast %jit3A_70 : f32 to vector<4096x60xf32>
    %select_n3A = arith.select %and3A_69, %broadcast_in_dim3A_71, %broadcast_in_dim3A_72 : vector<4096x60xi1>, vector<4096x60xf32>
    %add3A_73 = arith.addf %broadcast_in_dim3A_17, %select_n3A : vector<4096x60xf32>
    %get3A_74 = arith.constant 0 : index
    %get3A_75 = arith.constant 1 : index
    %get3A_76 = vector.load %arg3[%get3A_74, %get3A_75] : memref<4096x3xf32, #tpu.memory_space<vmem>>, vector<4096x1xf32>
    %get3A_77 = arith.constant 0 : index
    %get3A_78 = arith.constant 1 : index
    %get3A_79 = vector.load %arg4[%get3A_77, %get3A_78] : memref<4096x3xf32, #tpu.memory_space<vmem>>, vector<4096x1xf32>
    %get3A_80 = arith.constant 0 : index
    %get3A_81 = arith.constant 1 : index
    %get3A_82 = vector.load %arg5[%get3A_80, %get3A_81] : memref<4096x3xf32, #tpu.memory_space<vmem>>, vector<4096x1xf32>
    %mul3A_83 = vector.broadcast %get3A_79 : vector<4096x1xf32> to vector<4096x60xf32>
    %mul3A_84 = arith.mulf %mul3A_83, %get3A_7 : vector<4096x60xf32>
    %mul3A_85 = vector.broadcast %get3A_82 : vector<4096x1xf32> to vector<4096x60xf32>
    %mul3A_86 = arith.mulf %mul3A_85, %get3A_4 : vector<4096x60xf32>
    %sub3A_87 = arith.subf %mul3A_84, %mul3A_86 : vector<4096x60xf32>
    %mul3A_88 = vector.broadcast %get3A_82 : vector<4096x1xf32> to vector<4096x60xf32>
    %mul3A_89 = arith.mulf %mul3A_88, %get3A_1 : vector<4096x60xf32>
    %mul3A_90 = vector.broadcast %get3A_76 : vector<4096x1xf32> to vector<4096x60xf32>
    %mul3A_91 = arith.mulf %mul3A_90, %get3A_7 : vector<4096x60xf32>
    %sub3A_92 = arith.subf %mul3A_89, %mul3A_91 : vector<4096x60xf32>
    %mul3A_93 = vector.broadcast %get3A_76 : vector<4096x1xf32> to vector<4096x60xf32>
    %mul3A_94 = arith.mulf %mul3A_93, %get3A_4 : vector<4096x60xf32>
    %mul3A_95 = vector.broadcast %get3A_79 : vector<4096x1xf32> to vector<4096x60xf32>
    %mul3A_96 = arith.mulf %mul3A_95, %get3A_1 : vector<4096x60xf32>
    %sub3A_97 = arith.subf %mul3A_94, %mul3A_96 : vector<4096x60xf32>
    %mul3A_98 = vector.broadcast %get3A_76 : vector<4096x1xf32> to vector<4096x60xf32>
    %mul3A_99 = arith.mulf %sub3A_87, %mul3A_98 : vector<4096x60xf32>
    %mul3A_100 = vector.broadcast %get3A_79 : vector<4096x1xf32> to vector<4096x60xf32>
    %mul3A_101 = arith.mulf %sub3A_92, %mul3A_100 : vector<4096x60xf32>
    %add3A_102 = arith.addf %mul3A_99, %mul3A_101 : vector<4096x60xf32>
    %mul3A_103 = vector.broadcast %get3A_82 : vector<4096x1xf32> to vector<4096x60xf32>
    %mul3A_104 = arith.mulf %sub3A_97, %mul3A_103 : vector<4096x60xf32>
    %add3A_105 = arith.addf %add3A_102, %mul3A_104 : vector<4096x60xf32>
    %mul3A_106 = arith.mulf %sub3A_87, %get3A_1 : vector<4096x60xf32>
    %mul3A_107 = arith.mulf %sub3A_92, %get3A_4 : vector<4096x60xf32>
    %add3A_108 = arith.addf %mul3A_106, %mul3A_107 : vector<4096x60xf32>
    %mul3A_109 = arith.mulf %sub3A_97, %get3A_7 : vector<4096x60xf32>
    %add3A_110 = arith.addf %add3A_108, %mul3A_109 : vector<4096x60xf32>
    %mul3A_111 = arith.mulf %sub3A_87, %get3A_10 : vector<4096x60xf32>
    %mul3A_112 = arith.mulf %sub3A_92, %get3A_13 : vector<4096x60xf32>
    %add3A_113 = arith.addf %mul3A_111, %mul3A_112 : vector<4096x60xf32>
    %mul3A_114 = arith.mulf %sub3A_97, %get3A_16 : vector<4096x60xf32>
    %add3A_115 = arith.addf %add3A_113, %mul3A_114 : vector<4096x60xf32>
    %div3A_116 = arith.divf %add3A_110, %add3A_105 : vector<4096x60xf32>
    %div3A_117 = arith.divf %add3A_115, %add3A_105 : vector<4096x60xf32>
    %ge3A_118 = arith.constant 0.000000e+00 : f32
    %ge3A_119 = vector.broadcast %ge3A_118 : f32 to vector<4096x60xf32>
    %ge3A_120 = arith.cmpf oge, %div3A_116, %ge3A_119 : vector<4096x60xf32>
    %le3A_121 = arith.constant 1.000000e+00 : f32
    %le3A_122 = vector.broadcast %le3A_121 : f32 to vector<4096x60xf32>
    %le3A_123 = arith.cmpf ole, %div3A_116, %le3A_122 : vector<4096x60xf32>
    %and3A_124 = arith.andi %ge3A_120, %le3A_123 : vector<4096x60xi1>
    %ge3A_125 = arith.constant 0.000000e+00 : f32
    %ge3A_126 = vector.broadcast %ge3A_125 : f32 to vector<4096x60xf32>
    %ge3A_127 = arith.cmpf oge, %div3A_117, %ge3A_126 : vector<4096x60xf32>
    %and3A_128 = arith.andi %and3A_124, %ge3A_127 : vector<4096x60xi1>
    %le3A_129 = arith.constant 1.000000e+00 : f32
    %le3A_130 = vector.broadcast %le3A_129 : f32 to vector<4096x60xf32>
    %le3A_131 = arith.cmpf ole, %div3A_117, %le3A_130 : vector<4096x60xf32>
    %and3A_132 = arith.andi %and3A_128, %le3A_131 : vector<4096x60xi1>
    %jit3A_133 = arith.constant 1.000000e+00 : f32
    %jit3A_134 = arith.constant 0.000000e+00 : f32
    %broadcast_in_dim3A_135 = vector.broadcast %jit3A_133 : f32 to vector<4096x60xf32>
    %broadcast_in_dim3A_136 = vector.broadcast %jit3A_134 : f32 to vector<4096x60xf32>
    %select_n3A_137 = arith.select %and3A_132, %broadcast_in_dim3A_135, %broadcast_in_dim3A_136 : vector<4096x60xi1>, vector<4096x60xf32>
    %add3A_138 = arith.addf %add3A_73, %select_n3A_137 : vector<4096x60xf32>
    %get3A_139 = arith.constant 0 : index
    %get3A_140 = arith.constant 2 : index
    %get3A_141 = vector.load %arg3[%get3A_139, %get3A_140] : memref<4096x3xf32, #tpu.memory_space<vmem>>, vector<4096x1xf32>
    %get3A_142 = arith.constant 0 : index
    %get3A_143 = arith.constant 2 : index
    %get3A_144 = vector.load %arg4[%get3A_142, %get3A_143] : memref<4096x3xf32, #tpu.memory_space<vmem>>, vector<4096x1xf32>
    %get3A_145 = arith.constant 0 : index
    %get3A_146 = arith.constant 2 : index
    %get3A_147 = vector.load %arg5[%get3A_145, %get3A_146] : memref<4096x3xf32, #tpu.memory_space<vmem>>, vector<4096x1xf32>
    %mul3A_148 = vector.broadcast %get3A_144 : vector<4096x1xf32> to vector<4096x60xf32>
    %mul3A_149 = arith.mulf %mul3A_148, %get3A_7 : vector<4096x60xf32>
    %mul3A_150 = vector.broadcast %get3A_147 : vector<4096x1xf32> to vector<4096x60xf32>
    %mul3A_151 = arith.mulf %mul3A_150, %get3A_4 : vector<4096x60xf32>
    %sub3A_152 = arith.subf %mul3A_149, %mul3A_151 : vector<4096x60xf32>
    %mul3A_153 = vector.broadcast %get3A_147 : vector<4096x1xf32> to vector<4096x60xf32>
    %mul3A_154 = arith.mulf %mul3A_153, %get3A_1 : vector<4096x60xf32>
    %mul3A_155 = vector.broadcast %get3A_141 : vector<4096x1xf32> to vector<4096x60xf32>
    %mul3A_156 = arith.mulf %mul3A_155, %get3A_7 : vector<4096x60xf32>
    %sub3A_157 = arith.subf %mul3A_154, %mul3A_156 : vector<4096x60xf32>
    %mul3A_158 = vector.broadcast %get3A_141 : vector<4096x1xf32> to vector<4096x60xf32>
    %mul3A_159 = arith.mulf %mul3A_158, %get3A_4 : vector<4096x60xf32>
    %mul3A_160 = vector.broadcast %get3A_144 : vector<4096x1xf32> to vector<4096x60xf32>
    %mul3A_161 = arith.mulf %mul3A_160, %get3A_1 : vector<4096x60xf32>
    %sub3A_162 = arith.subf %mul3A_159, %mul3A_161 : vector<4096x60xf32>
    %mul3A_163 = vector.broadcast %get3A_141 : vector<4096x1xf32> to vector<4096x60xf32>
    %mul3A_164 = arith.mulf %sub3A_152, %mul3A_163 : vector<4096x60xf32>
    %mul3A_165 = vector.broadcast %get3A_144 : vector<4096x1xf32> to vector<4096x60xf32>
    %mul3A_166 = arith.mulf %sub3A_157, %mul3A_165 : vector<4096x60xf32>
    %add3A_167 = arith.addf %mul3A_164, %mul3A_166 : vector<4096x60xf32>
    %mul3A_168 = vector.broadcast %get3A_147 : vector<4096x1xf32> to vector<4096x60xf32>
    %mul3A_169 = arith.mulf %sub3A_162, %mul3A_168 : vector<4096x60xf32>
    %add3A_170 = arith.addf %add3A_167, %mul3A_169 : vector<4096x60xf32>
    %mul3A_171 = arith.mulf %sub3A_152, %get3A_1 : vector<4096x60xf32>
    %mul3A_172 = arith.mulf %sub3A_157, %get3A_4 : vector<4096x60xf32>
    %add3A_173 = arith.addf %mul3A_171, %mul3A_172 : vector<4096x60xf32>
    %mul3A_174 = arith.mulf %sub3A_162, %get3A_7 : vector<4096x60xf32>
    %add3A_175 = arith.addf %add3A_173, %mul3A_174 : vector<4096x60xf32>
    %mul3A_176 = arith.mulf %sub3A_152, %get3A_10 : vector<4096x60xf32>
    %mul3A_177 = arith.mulf %sub3A_157, %get3A_13 : vector<4096x60xf32>
    %add3A_178 = arith.addf %mul3A_176, %mul3A_177 : vector<4096x60xf32>
    %mul3A_179 = arith.mulf %sub3A_162, %get3A_16 : vector<4096x60xf32>
    %add3A_180 = arith.addf %add3A_178, %mul3A_179 : vector<4096x60xf32>
    %div3A_181 = arith.divf %add3A_175, %add3A_170 : vector<4096x60xf32>
    %div3A_182 = arith.divf %add3A_180, %add3A_170 : vector<4096x60xf32>
    %ge3A_183 = arith.constant 0.000000e+00 : f32
    %ge3A_184 = vector.broadcast %ge3A_183 : f32 to vector<4096x60xf32>
    %ge3A_185 = arith.cmpf oge, %div3A_181, %ge3A_184 : vector<4096x60xf32>
    %le3A_186 = arith.constant 1.000000e+00 : f32
    %le3A_187 = vector.broadcast %le3A_186 : f32 to vector<4096x60xf32>
    %le3A_188 = arith.cmpf ole, %div3A_181, %le3A_187 : vector<4096x60xf32>
    %and3A_189 = arith.andi %ge3A_185, %le3A_188 : vector<4096x60xi1>
    %ge3A_190 = arith.constant 0.000000e+00 : f32
    %ge3A_191 = vector.broadcast %ge3A_190 : f32 to vector<4096x60xf32>
    %ge3A_192 = arith.cmpf oge, %div3A_182, %ge3A_191 : vector<4096x60xf32>
    %and3A_193 = arith.andi %and3A_189, %ge3A_192 : vector<4096x60xi1>
    %le3A_194 = arith.constant 1.000000e+00 : f32
    %le3A_195 = vector.broadcast %le3A_194 : f32 to vector<4096x60xf32>
    %le3A_196 = arith.cmpf ole, %div3A_182, %le3A_195 : vector<4096x60xf32>
    %and3A_197 = arith.andi %and3A_193, %le3A_196 : vector<4096x60xi1>
    %jit3A_198 = arith.constant 1.000000e+00 : f32
    %jit3A_199 = arith.constant 0.000000e+00 : f32
    %broadcast_in_dim3A_200 = vector.broadcast %jit3A_198 : f32 to vector<4096x60xf32>
    %broadcast_in_dim3A_201 = vector.broadcast %jit3A_199 : f32 to vector<4096x60xf32>
    %select_n3A_202 = arith.select %and3A_197, %broadcast_in_dim3A_200, %broadcast_in_dim3A_201 : vector<4096x60xi1>, vector<4096x60xf32>
    %add3A_203 = arith.addf %add3A_138, %select_n3A_202 : vector<4096x60xf32>
    %get3A_204 = arith.constant 0 : index
    %get3A_205 = arith.constant 0 : index
    %get3A_206 = vector.load %arg9[%get3A_204, %get3A_205] : memref<4096x1xf32, #tpu.memory_space<vmem>>, vector<4096x1xf32>
    %mul3A_207 = vector.broadcast %get3A_206 : vector<4096x1xf32> to vector<4096x60xf32>
    %mul3A_208 = arith.mulf %add3A_203, %mul3A_207 : vector<4096x60xf32>
    %reduce_sum3A = vector.shape_cast %mul3A_208 : vector<4096x60xf32> to vector<1x4096x60xf32>
    %reduce_sum3A_209 = arith.constant dense<0.000000e+00> : vector<1xf32>
    %reduce_sum3A_210 = vector.multi_reduction <add>, %reduce_sum3A, %reduce_sum3A_209 [1, 2] : vector<1x4096x60xf32> to vector<1xf32>
    %reduce_sum3A_211 = vector.shape_cast %reduce_sum3A_210 : vector<1xf32> to vector<1x1x1xf32>
    %reduce_sum3A_212 = vector.extract %reduce_sum3A_211[0, 0, 0] : f32 from vector<1x1x1xf32>
    %broadcast_in_dim3A_213 = vector.broadcast %reduce_sum3A_212 : f32 to vector<1x1xf32>
    %swap3A = arith.constant 0 : index
    %swap3A_214 = arith.constant 0 : index
    %swap3A_215 = vector.load %arg10[%swap3A, %swap3A_214] : memref<1x1xf32, #tpu.memory_space<vmem>>, vector<1x1xf32>
    tpu.vector_store %arg10[%swap3A, %swap3A_214], %broadcast_in_dim3A_213 {strides = array<i32>} : memref<1x1xf32, #tpu.memory_space<vmem>>, vector<1x1xf32>,
    return
  }
}

</mosaic_0001>

<sc_bundles>
// kernel: gather_offload_async_start.1
scs
__scs_entry_jumppad:
0x0: {  	(pc) =	sbr.rel $0x88, $3  }
0x1: {  	(tag) =	ssettag $0x0;
	lr =	simm.s32 $0x1  }
0x2: {  	[smem:$0x3F9E] =	sst lr;
	_ =	strace $0xD0000000  }
0x3: {  	_ = 	snop  }
0x4: {  	_ = 	snop  }
0x5: {  	_ = 	snop  }
0x6: {  	_ = 	snop  }
0x7: {  	_ = 	snop  }
__scs_overlays_trampoline_lowered:
0x8: {  	[smem:$0x3FAD] =	sst s0  }
0x9: {  	[smem:$0x3FAE] =	sst s1  }
0xa: {  	[smem:$0x3FAF] =	sst s2  }
0xb: {  	[smem:$0x3FB0] =	sst s3  }
0xc: {  	[smem:$0x3FB1] =	sst s4  }
0xd: {  	[smem:$0x3FB2] =	sst s5  }
0xe: {  	[smem:$0x3FB3] =	sst s6  }
0xf: {  	[smem:$0x3FB4] =	sst s7  }
0x10: {  	[smem:$0x3FB5] =	sst s8  }
0x11: {  	[smem:$0x3FB6] =	sst s9;
	s0 =	simm.s32 @!p0 $0x0  }
0x12: {  	s1 =	sld [smem:$0x3F9C];
	s0 =	simm.s32 @p0 $0x1  }
0x13: {  	[smem:$0x3FB7] =	sst s0;
	s0 =	simm.s32 @!p1 $0x0  }
0x14: {  	s2 =	sld [smem:$0x3F9B];
	s0 =	simm.s32 @p1 $0x1  }
0x15: {  	[smem:$0x3FB8] =	sst s0;
	s0 =	simm.s32 @!p2 $0x0  }
0x16: {  	s3 =	sld [smem:$0x3FDB];
	s0 =	simm.s32 @p2 $0x1  }
0x17: {  	s4 =	simm.s32 $0x1BF5;
	[smem:$0x3FBA] =	sst s0  }
0x18: {  	s0 =	sld [smem:$0x3F9D];
	_ =	swait.ge [sflag:s4], $0x0  }
0x19: {  	s7 =	sld [smem:$0x3F9E]  }
0x1a: {  	s8 =	sadd.s32 $0xFFFFE003, lr  }
0x1b: {  	s9 =	sadd.s32 $0xFFFFFEF7, lr;
	s5 =	simm.s32 $0xFFFFFFFF;
	p2 =	slt.u32 s8, $0xFFFFF086  }
0x1c: {  	p1 =	slt.u32 s9, $0xF7A;
	s5 =	simm.s32 @!p2 $0x0  }
0x1d: {  	s5 =	simm.s32 @p1 $0x1;
	p0 =	seq.s32 s7, s2  }
0x1e: {  	s7 =	smul.u32 @!p0 $0xF7A, s2;
	p2 =	seq.s32 @!p0 s5, $0x0  }
0x1f: {  	s9 =	smul.u32 $0xF7A, s1;
	s8 =	simm.s32 @!p0 $0x1BF5;
	p2 =	por !p2, p0  }
0x20: {  	[sflag:s8] =	ssyncset.s32 @!p0 $0xFFFFF086;
	s6 =	sadd.s32 @!p0 s3, s7;
	s7 =	simm.s32 @!p0 $0x108  }
0x21: {  	s3 =	sadd.s32 s3, s9;
	s6 =	sadd.s32 @!p0 $0x88, s6;
	s7 =	simm.s32 @p2 $0x1082  }
0x22: {  	[simem:s7], [sflag:s8] =	dma.local @!p0 [hbm:s6], $0xF7A  }
0x23: {  	s9 =	sor.u32 $0xD0000000, s2;
	s6 =	simm.s32 $0x108;
	_ =	swait.ge @!p0 [sflag:s8], $0x0  }
0x24: {  	s3 =	sadd.s32 $0x88, s3;
	s6 =	simm.s32 @!p1 $0x1082;
	[sflag:s4] =	ssyncset.s32 $0xFFFFF086  }
0x25: {  	[simem:s6], [sflag:s4] =	dma.local [hbm:s3], $0xF7A  }
0x26: {  	[smem:$0x3F9E] =	sst s1;
	(tag) =	ssettag s2;
	_ =	strace s9  }
0x27: {  	s1 =	sld [smem:$0x3FAE]  }
0x28: {  	s2 =	sld [smem:$0x3FAF]  }
0x29: {  	s4 =	sld [smem:$0x3FB1]  }
0x2a: {  	p0 =	seq.s32 s5, $0x0;
	s5 =	sld [smem:$0x3FB2]  }
0x2b: {  	s6 =	sld [smem:$0x3FB3]  }
0x2c: {  	s7 =	sld [smem:$0x3FB4]  }
0x2d: {  	s3 =	simm.s32 $0x108;
	s8 =	sld [smem:$0x3FB5]  }
0x2e: {  	s3 =	simm.s32 @!p0 $0x1082;
	s9 =	sld [smem:$0x3FB6]  }
0x2f: {  	lr =	sadd.s32 s0, s3;
	s0 =	sld [smem:$0x3FAD]  }
0x30: {  	s3 =	sld [smem:$0x3FB0]  }
0x31: {  	[smem:$0x3FB9] =	sst s10  }
0x32: {  	s10 =	sld [smem:$0x3FB7];
	_ =	sdelay $0x3  }
0x33: {  	p0 =	seq.s32 s10, $0x1;
	s10 =	sld [smem:$0x3FB9];
	_ =	sdelay $0x3  }
0x34: {  	[smem:$0x3FB9] =	sst s10  }
0x35: {  	s10 =	sld [smem:$0x3FB8];
	_ =	sdelay $0x3  }
0x36: {  	p1 =	seq.s32 s10, $0x1;
	s10 =	sld [smem:$0x3FB9];
	_ =	sdelay $0x3  }
0x37: {  	[smem:$0x3FB9] =	sst s10  }
0x38: {  	s10 =	sld [smem:$0x3FBA]  }
0x39: {  	_ = 	snop;
	(pc) =	sbr.ind lr, $3  }
0x3a: {  	_ = 	snop  }
0x3b: {  	_ = 	snop  }
0x3c: {  	p2 =	seq.s32 s10, $0x1;
	s10 =	sld [smem:$0x3FB9]  }
0x3d: {  	_ =	shalt  }
0x3e: {  	_ =	shalt  }
0x3f: {  	_ =	shalt  }
0x40: {  	_ =	shalt  }
0x41: {  	_ =	shalt  }
0x42: {  	_ =	shalt  }
0x43: {  	_ =	shalt  }
0x44: {  	_ =	shalt  }
0x45: {  	_ =	shalt  }
0x46: {  	_ =	shalt  }
0x47: {  	_ =	shalt  }
0x48: {  	_ =	shalt  }
0x49: {  	_ =	shalt  }
0x4a: {  	_ =	shalt  }
0x4b: {  	_ =	shalt  }
0x4c: {  	_ =	shalt  }
0x4d: {  	_ =	shalt  }
0x4e: {  	_ =	shalt  }
0x4f: {  	_ =	shalt  }
0x50: {  	_ =	shalt  }
0x51: {  	_ =	shalt  }
0x52: {  	_ =	shalt  }
0x53: {  	_ =	shalt  }
0x54: {  	_ =	shalt  }
0x55: {  	_ =	shalt  }
0x56: {  	_ =	shalt  }
0x57: {  	_ =	shalt  }
0x58: {  	_ =	shalt  }
0x59: {  	_ =	shalt  }
0x5a: {  	_ =	shalt  }
0x5b: {  	_ =	shalt  }
0x5c: {  	_ =	shalt  }
0x5d: {  	_ =	shalt  }
0x5e: {  	_ =	shalt  }
0x5f: {  	_ =	shalt  }
0x60: {  	_ =	shalt  }
0x61: {  	_ =	shalt  }
0x62: {  	_ =	shalt  }
0x63: {  	_ =	shalt  }
0x64: {  	_ =	shalt  }
0x65: {  	_ =	shalt  }
0x66: {  	_ =	shalt  }
0x67: {  	_ =	shalt  }
0x68: {  	_ =	shalt  }
0x69: {  	_ =	shalt  }
0x6a: {  	_ =	shalt  }
0x6b: {  	_ =	shalt  }
0x6c: {  	_ =	shalt  }
0x6d: {  	_ =	shalt  }
0x6e: {  	_ =	shalt  }
0x6f: {  	_ =	shalt  }
0x70: {  	_ =	shalt  }
0x71: {  	_ =	shalt  }
0x72: {  	_ =	shalt  }
0x73: {  	_ =	shalt  }
0x74: {  	_ =	shalt  }
0x75: {  	_ =	shalt  }
0x76: {  	_ =	shalt  }
0x77: {  	_ =	shalt  }
0x78: {  	_ =	shalt  }
0x79: {  	_ =	shalt  }
0x7a: {  	_ =	shalt  }
0x7b: {  	_ =	shalt  }
0x7c: {  	_ =	shalt  }
0x7d: {  	_ =	shalt  }
0x7e: {  	_ =	shalt  }
0x7f: {  	_ =	shalt  }
0x80: {  	_ =	shalt  }
0x81: {  	_ =	shalt  }
0x82: {  	_ =	shalt  }
0x83: {  	_ =	shalt  }
0x84: {  	_ =	shalt  }
0x85: {  	_ =	shalt  }
0x86: {  	_ =	shalt  }
0x87: {  	_ =	shalt  }
.Lfunc_end0:
.L_simem_size_0:
called_computation.1_lowered:
.L_overlay_start_0:
0x88: {  	s2 =	sld [smem:$0x3FD9]  }
0x89: {  	s3 =	sld [smem:$0x3FFE];
	_ =	sdelay $0x1  }
0x8a: {  	s1 =	srdreg.scid  }
0x8b: {  	s0 =	sand.u32 $0x1, s1  }
0x8c: {  	s16 =	sshll.u32 s0, $0xA;
	s2 =	sadd.s32 s3, s2  }
0x8d: {  	s2 =	sadd.s32 s2, s16  }
0x8e: {  	[smem:$0x3FC5] =	sst s2  }
0x8f: {  	_ = 	snop  }
0x90: {  	(tm) =	ssettm $0x1  }
0x91: {  	s17 =	sld [smem:$0x3FFB];
	_ =	sdelay $0x3  }
0x92: {  	_ =	strace s17  }
0x93: {  	s2 =	sld [smem:$0x3FFC];
	_ =	sdelay $0x3  }
0x94: {  	_ =	strace s2  }
0x95: {  	s2 =	sld [smem:$0x3FFD];
	_ =	sdelay $0x3  }
0x96: {  	_ =	strace s2  }
0x97: {  	_ =	strace $0x8FFFFFFF  }
0x98: {  	s18 =	sld [smem:$0x3FDB];
	_ =	sdelay $0x1  }
0x99: {  	s19 =	simm.s32 $_scs_section_size  }
0x9a: {  	s4 =	simm.s32 $_size__tile_overlayer_lowered;
	s5 =	simm.s32 $_tile_overlayer_lowered  }
0x9b: {  	s22 =	simm.s32 $0x1BFF;
	s21 =	sshll.u32 s5, $0x1;
	s2 =	sadd.s32 s19, s18  }
0x9c: {  	s6 =	simm.s32 $0x0;
	s20 =	sshll.u32 s4, $0x1;
	s4 =	sadd.s32 s21, s2  }
0x9d: {  	[timem:s6], [sflag:s22] =	dma.local [hbm:s4], s20  }
0x9e: {  	_ =	swait.ge [sflag:s22], s20  }
0x9f: {  	s3 =	ssub.s32 $0x0, s20;
	[sflag:s22] =	ssyncset.done $0x0  }
0xa0: {  	[sflag:s22] =	ssyncadd.s32 s3;
	_ =	sdelay $0x1  }
0xa1: {  	s23 =	simm.s32 $0x1B8B  }
0xa2: {  	_ =	swait.ge [sflag:s23], $0x1  }
0xa3: {  	[sflag:s23] =	ssyncset.done $0x0  }
0xa4: {  	s25 =	simm.s32 $0x1B8E;
	s24 =	sld [smem:$0x3FFE];
	[sflag:s23] =	ssyncadd.s32 $0xFFFFFFFF  }
0xa5: {  	s26 =	simm.s32 $execute0_lowered;
	[smem:$0x3FD2] =	sst s25  }
0xa6: {  	s4 =	sshll.u32 s26, $0x1;
	_ =	strace $0x80000046;
	[dreg:$0x1] =	wrdreg $0xFFFFFFFF  }
0xa7: {  	s28 =	simm.s32 $_size_execute0_lowered;
	s2 =	sadd.s32 s2, s4;
	[dreg:$0x0] =	wrdreg $0x0  }
0xa8: {  	s4 =	sshll.u32 s28, $0x1;
	[dreg:$0x2] =	wrdreg s2  }
0xa9: {  	[dreg:$0x3] =	wrdreg s4  }
0xaa: {  	[dreg:$0x4] =	wrdreg $0xC0  }
0xab: {  	_ =	task [dreg:s6], $0x5FFFF  }
0xac: {  	[dreg:$0x1] =	wrdreg $0xFFFFFFFF  }
0xad: {  	[dreg:$0x0] =	wrdreg $0x60  }
0xae: {  	[dreg:$0x2] =	wrdreg s24  }
0xaf: {  	[dreg:$0x3] =	wrdreg $0xA  }
0xb0: {  	_ =	task.clear_ibuf [dreg:s6], $0x4FFFF;
	_ =	strace $0x90000046  }
0xb1: {  	s29 =	simm.s32 $0xA;
	_ =	strace $0x80000048  }
0xb2: {  	_ =	swait.ge [sflag:s29], $0x1  }
0xb3: {  	[sflag:s29] =	ssyncadd.s32 $0xFFFFFFFF  }
0xb4: {  	_ =	strace $0x90000048  }
0xb5: {  	_ =	sfence  }
0xb6: {  	s30 =	sld [smem:$0x0];
	_ =	sdelay $0x2  }
0xb7: {  	s31 =	sshll.u32 s1, $0xD;
	s1 =	sshrl.u32 s1, $0x2  }
0xb8: {  	s3 =	sand.u32 $0x4000, s31;
	s1 =	sadd.s32 s1, s30  }
0xb9: {  	s0 =	sor.u32 s3, s0;
	s1 =	sshll.u32 s1, $0x11  }
0xba: {  	s0 =	sor.u32 s1, s0  }
0xbb: {  	s0 =	sadd.s32 $0x8F2B, s0  }
0xbc: {  	[sflag:s0] =	ssyncadd.remote.s32 $0x1  }
0xbd: {  	_ =	sfence.sel $0xFFFF  }
0xbe: {  	[dreg:$0x0] =	wrdreg $0xFFFFFFFF;
	(pc) =	sbr.abs _section_cstart, $3  }
0xbf: {  	[dreg:$0x1] =	wrdreg $0xFFFFFFFF  }
0xc0: {  	_ =	task.clear_ibuf [dreg:s6], $0x2FFFF;
	_ =	strace $0x9FFFFFFF  }
0xc1: {  	(tm) =	ssettm $0x7FFFFFFF  }
tec
execute0_lowered:
.L_overlay_start_1:
0x0: {  	(tag) =	ssettag $0x1  }
0x1: {  	s7 =	rddreg [dreg:$0x0]  }
0x2: {  	s1 =	srdreg.scid;
	s0 =	rddreg [dreg:$0x1]  }
0x3: {  	_ =	strace $0x80000047;
	s3 =	simm.s32 $0x1;
	s5 =	simm.s32 $0x2  }
0x4: {  	s9 =	simm.s32 $0x3;
	s12 =	simm.s32 $0x0;
	s2 =	sshll.u32 s1, $0x4  }
.Ltmp0:
0x5: {  	s1 =	stileid.u32;
	s4 =	sand.u32 $0x10, s2;
	(pc) =	sbr.rel .LBB2_1-.Ltmp0, $4  }
0x6: {  	s10 =	simm.s32 $0x0;
	[sflag:s3] =	ssyncpa.u1 $0x0;
	s4 =	sor.u32 s1, s4  }
0x7: {  	s6 =	sadd.s32 $0x28A00, s7;
	[sflag:s5] =	ssyncpa.u1 $0x0;
	s4 =	smul.u32 $0x180, s4  }
0x8: {  	s2 =	sadd.s32 $0x1800, s7;
	s7 =	sadd.s32 $0x29000, s7;
	[sflag:s9] =	ssyncpa.u1 $0x0  }
0x9: {  	vm0 =	vmmov $0xff;
	vm1 =	vcmask $0x3F20;
	s9 =	simm.s32 $0x180;
	s8 =	sadd.s32 $0x180, s4;
	s11 =	smov.u32 s4  }
.LBB2_10:
0xa: {  	s12 =	sshrl.u32 s11, $0x3  }
0xb: {  	s13 =	sand.u32 $0x7, s11;
	s12 =	sadd.s32 s6, s12  }
0xc: {  	[tilespmem:s9], [sflag:$0x2] =	stream.linear.gather [hbm4b:s12+s13], $0x180, $0x38;
	[tilespmem:$0x18300] =	vst v63  }
.LBB2_8:
0xd: {  	s12 =	sadd.s32 $0x180, s11  }
0xe: {  	s13 =	smov.u32 s4;
	p0 =	slt.s32 s12, s8  }
0xf: {  	s13 =	smov.u32 @p0 s12  }
0x10: {  	s10 =	sadd.s32 $0x1, s10;
	s12 =	smov.u32 s11;
	s11 =	smov.u32 s13  }
.LBB2_1:
0x11: {  	p0 =	seq.s32 s10, $0x0  }
.Ltmp1:
0x12: {  	_ = 	snop;
	(pc) =	sbr.rel @p0 .LBB2_10-.Ltmp1, $1  }
0x13: {  	_ =	sdelay $0x3  }
0x14: {  	p0 =	seq.s32 s10, $0x1  }
.Ltmp2:
0x15: {  	_ = 	snop;
	(pc) =	sbr.rel @!p0 .LBB2_9-.Ltmp2, $1  }
0x16: {  	_ =	sdelay $0x3  }
0x17: {  	_ =	swait.ge [sflag:s5], $0x180  }
0x18: {  	[sflag:s5] =	ssyncset.done $0x0  }
0x19: {  	s13 =	simm.s32 $0x0;
	[sflag:s5] =	ssyncadd.s32 $0xFFFFFE80  }
0x1a: {  	v0 =	vld.msk [tilespmem:s13+$0x180 ss:$0x1], $0xffff;
	_ =	sdelay $0x4  }
0x1b: {  	vm2 =	vgt.s32 v0, $0x0  }
0x1c: {  	v0 =	vnsel vm2, $0x0, v0  }
0x1d: {  	v0 =	vmin.u32 v0, $0x270F  }
0x1e: {  	v0 =	vshll.u32 v0, $0x4;
	_ =	sdelay $0x3  }
0x1f: {  	s13 =	simm.s32 $0xC300  }
0x20: {  	[tilespmem:s13], [sflag:$0x1] =	stream.indirect_vreg.gather [hbm:s2], $0x80, v0, vm0, $0x38;
	[tilespmem:$0x18300] =	vst v63  }
0x21: {  	s14 =	simm.s32 $0xC700;
	s31 =	simm.s32 $0x10  }
0x22: {  	[tilespmem:s14], [sflag:$0x1] =	stream.indirect_vreg.gather [hbm:s2], $0x80, v0, vm1, $0x38;
	[tilespmem:$0x18300] =	vst v63  }
0x23: {  	s14 =	simm.s32 $0x80;
	v0 =	vld.msk [tilespmem:s31+$0x180 ss:$0x1], $0xffff  }
.LBB2_4:
0x24: {  	p0 =	sne.s32 s14, $0x5C0;
	_ =	sdelay $0x4  }
0x25: {  	vm2 =	vgt.s32 v0, $0x0  }
0x26: {  	v0 =	vnsel vm2, $0x0, v0  }
0x27: {  	v0 =	vmin.u32 v0, $0x270F  }
0x28: {  	v0 =	vshll.u32 v0, $0x4;
	_ =	sdelay $0x3  }
.Ltmp3:
0x29: {  	s13 =	sadd.s32 $0x800, s13;
	(pc) =	sbr.rel @p0 .LBB2_4-.Ltmp3, $4  }
0x2a: {  	[tilespmem:s13], [sflag:$0x1] =	stream.indirect_vreg.gather [hbm:s2], $0x80, v0, vm0, $0x38;
	[tilespmem:$0x18300] =	vst v63  }
0x2b: {  	s15 =	sshra.s32 s14, $0x2;
	s16 =	sadd.s32 $0x400, s13  }
0x2c: {  	[tilespmem:s16], [sflag:$0x1] =	stream.indirect_vreg.gather [hbm:s2], $0x80, v0, vm1, $0x38;
	[tilespmem:$0x18300] =	vst v63  }
0x2d: {  	s14 =	sadd.s32 $0x40, s14;
	v0 =	vld.msk [tilespmem:s15+$0x180 ss:$0x1], $0xffff  }
0x2e: {  	_ =	sdelay $0x3  }
0x2f: {  	vm2 =	vgt.s32 v0, $0x0  }
0x30: {  	v0 =	vnsel vm2, $0x0, v0  }
0x31: {  	v0 =	vmin.u32 v0, $0x270F  }
0x32: {  	v0 =	vshll.u32 v0, $0x4;
	_ =	sdelay $0x3  }
0x33: {  	s13 =	sadd.s32 $0x800, s13  }
0x34: {  	[tilespmem:s13], [sflag:$0x1] =	stream.indirect_vreg.gather [hbm:s2], $0x80, v0, vm0, $0x38;
	[tilespmem:$0x18300] =	vst v63  }
0x35: {  	s13 =	sadd.s32 $0x400, s13  }
0x36: {  	[tilespmem:s13], [sflag:$0x1] =	stream.indirect_vreg.gather [hbm:s2], $0x80, v0, vm1, $0x38;
	[tilespmem:$0x18300] =	vst v63  }
0x37: {  	s12 =	sshll.u32 s12, $0x4;
	s14 =	simm.s32 $0x80;
	_ =	swait.ge [sflag:s3], $0xC000  }
0x38: {  	s15 =	simm.s32 $0xC700;
	s12 =	sadd.s32 s12, s7;
	[sflag:s3] =	ssyncset.done $0x0  }
0x39: {  	s16 =	sadd.s32 $0x0, s12;
	s13 =	simm.s32 $0xC300;
	[sflag:s3] =	ssyncadd.s32 $0xFFFF4000  }
.LBB2_6:
0x3a: {  	[hbm:s16] =	stream.linear.scatter [tilespmem:s13], [sflag:$0x3], $0x400, $0x38;
	[tilespmem:$0x18300] =	vst v63  }
0x3b: {  	s16 =	smov.u32 s14;
	s13 =	smov.u32 s15;
	p0 =	seq.s32 s14, $0x1780  }
.Ltmp4:
0x3c: {  	s14 =	sadd.s32 $0x80, s14;
	(pc) =	sbr.rel @!p0 .LBB2_6-.Ltmp4, $2  }
0x3d: {  	_ =	sdelay $0x2  }
0x3e: {  	s15 =	sadd.s32 $0x400, s15;
	s16 =	sadd.s32 s16, s12  }
.Ltmp5:
0x3f: {  	(pc) =	sbr.rel .LBB2_8-.Ltmp5, $2  }
0x40: {  	_ =	sdelay $0x2  }
0x41: {  	[hbm:s16] =	stream.linear.scatter [tilespmem:s13], [sflag:$0x3], $0x400, $0x38;
	[tilespmem:$0x18300] =	vst v63  }
.LBB2_9:
0x42: {  	s2 =	simm.s32 $0x3  }
0x43: {  	_ =	swait.ge [sflag:s2], $0xC000  }
0x44: {  	[sflag:s2] =	ssyncset.done $0x0  }
0x45: {  	[sflag:s2] =	ssyncadd.s32 $0xFFFF4000  }
0x46: {  	_ =	sfence.sel $0x180000  }
0x47: {  	s3 =	simm.s32 $0x2;
	[bflag:$0x0] =	sbarrier.arrive $0xFFFF  }
0x48: {  	[sflag:s3] =	ssyncpa.u1 $0x1  }
0x49: {  	s31 =	simm.s32 $0x1;
	[sflag:s2] =	ssyncpa.u1 $0x1  }
0x4a: {  	[sflag:s31] =	ssyncpa.u1 $0x1  }
0x4b: {  	p0 =	sne.s32 s1, $0x0;
	_ =	strace $0x90000047  }
0x4c: {  	s0 =	sadd.s32 @!p0 $0x100000, s0;
	[bflag:$0x2] =	sbarrier.arrive $0xFFFF  }
0x4d: {  	[sflag:s0] =	ssyncadd.tile.s32 @!p0 $0x1;
	_ =	shalt  }
.Lfunc_end2:
_tile_overlayer_lowered:
.L_overlay_start_2:
0x4e: {  	(tag) =	ssettag $0x2  }
0x4f: {  	s0 =	rddreg [dreg:$0x0];
	s2 =	stileid.u32  }
0x50: {  	s1 =	rddreg [dreg:$0x1];
	p0 =	sne.s32 s2, $0x0  }
0x51: {  	s3 =	rddreg [dreg:$0x2];
	[bflag:$0x3] =	sbarrier.arrive $0xFFFF;
	s2 =	simm.s32 @!p0 $0x1C01  }
0x52: {  	[timem:s3], [sflag:s2] =	dma.local @!p0 [hbm:s0], s1  }
0x53: {  	s0 =	simm.s32 @!p0 $0x1  }
0x54: {  	_ =	swait.ge @!p0 [sflag:s0], s1  }
0x55: {  	s1 =	ssub.s32 @!p0 $0x0, s1;
	[sflag:s0] =	ssyncset.done @!p0 $0x0  }
0x56: {  	[sflag:s0] =	ssyncadd.s32 @!p0 s1  }
0x57: {  	[bflag:$0x3] =	sbarrier.arrive $0xFFFF  }
0x58: {  	_ =	shalt  }

// kernel: gather_offload_async_start
scs
__scs_entry_jumppad:
0x0: {  	(pc) =	sbr.rel $0x88, $3  }
0x1: {  	(tag) =	ssettag $0x0;
	lr =	simm.s32 $0x1  }
0x2: {  	[smem:$0x3F9E] =	sst lr;
	_ =	strace $0xD0000000  }
0x3: {  	_ = 	snop  }
0x4: {  	_ = 	snop  }
0x5: {  	_ = 	snop  }
0x6: {  	_ = 	snop  }
0x7: {  	_ = 	snop  }
__scs_overlays_trampoline_lowered:
0x8: {  	[smem:$0x3FAD] =	sst s0  }
0x9: {  	[smem:$0x3FAE] =	sst s1  }
0xa: {  	[smem:$0x3FAF] =	sst s2  }
0xb: {  	[smem:$0x3FB0] =	sst s3  }
0xc: {  	[smem:$0x3FB1] =	sst s4  }
0xd: {  	[smem:$0x3FB2] =	sst s5  }
0xe: {  	[smem:$0x3FB3] =	sst s6  }
0xf: {  	[smem:$0x3FB4] =	sst s7  }
0x10: {  	[smem:$0x3FB5] =	sst s8  }
0x11: {  	[smem:$0x3FB6] =	sst s9;
	s0 =	simm.s32 @!p0 $0x0  }
0x12: {  	s1 =	sld [smem:$0x3F9C];
	s0 =	simm.s32 @p0 $0x1  }
0x13: {  	[smem:$0x3FB7] =	sst s0;
	s0 =	simm.s32 @!p1 $0x0  }
0x14: {  	s2 =	sld [smem:$0x3F9B];
	s0 =	simm.s32 @p1 $0x1  }
0x15: {  	[smem:$0x3FB8] =	sst s0;
	s0 =	simm.s32 @!p2 $0x0  }
0x16: {  	s3 =	sld [smem:$0x3FDB];
	s0 =	simm.s32 @p2 $0x1  }
0x17: {  	s4 =	simm.s32 $0x1BF5;
	[smem:$0x3FBA] =	sst s0  }
0x18: {  	s0 =	sld [smem:$0x3F9D];
	_ =	swait.ge [sflag:s4], $0x0  }
0x19: {  	s7 =	sld [smem:$0x3F9E]  }
0x1a: {  	s8 =	sadd.s32 $0xFFFFE003, lr  }
0x1b: {  	s9 =	sadd.s32 $0xFFFFFEF7, lr;
	s5 =	simm.s32 $0xFFFFFFFF;
	p2 =	slt.u32 s8, $0xFFFFF086  }
0x1c: {  	p1 =	slt.u32 s9, $0xF7A;
	s5 =	simm.s32 @!p2 $0x0  }
0x1d: {  	s5 =	simm.s32 @p1 $0x1;
	p0 =	seq.s32 s7, s2  }
0x1e: {  	s7 =	smul.u32 @!p0 $0xF7A, s2;
	p2 =	seq.s32 @!p0 s5, $0x0  }
0x1f: {  	s9 =	smul.u32 $0xF7A, s1;
	s8 =	simm.s32 @!p0 $0x1BF5;
	p2 =	por !p2, p0  }
0x20: {  	[sflag:s8] =	ssyncset.s32 @!p0 $0xFFFFF086;
	s6 =	sadd.s32 @!p0 s3, s7;
	s7 =	simm.s32 @!p0 $0x108  }
0x21: {  	s3 =	sadd.s32 s3, s9;
	s6 =	sadd.s32 @!p0 $0x88, s6;
	s7 =	simm.s32 @p2 $0x1082  }
0x22: {  	[simem:s7], [sflag:s8] =	dma.local @!p0 [hbm:s6], $0xF7A  }
0x23: {  	s9 =	sor.u32 $0xD0000000, s2;
	s6 =	simm.s32 $0x108;
	_ =	swait.ge @!p0 [sflag:s8], $0x0  }
0x24: {  	s3 =	sadd.s32 $0x88, s3;
	s6 =	simm.s32 @!p1 $0x1082;
	[sflag:s4] =	ssyncset.s32 $0xFFFFF086  }
0x25: {  	[simem:s6], [sflag:s4] =	dma.local [hbm:s3], $0xF7A  }
0x26: {  	[smem:$0x3F9E] =	sst s1;
	(tag) =	ssettag s2;
	_ =	strace s9  }
0x27: {  	s1 =	sld [smem:$0x3FAE]  }
0x28: {  	s2 =	sld [smem:$0x3FAF]  }
0x29: {  	s4 =	sld [smem:$0x3FB1]  }
0x2a: {  	p0 =	seq.s32 s5, $0x0;
	s5 =	sld [smem:$0x3FB2]  }
0x2b: {  	s6 =	sld [smem:$0x3FB3]  }
0x2c: {  	s7 =	sld [smem:$0x3FB4]  }
0x2d: {  	s3 =	simm.s32 $0x108;
	s8 =	sld [smem:$0x3FB5]  }
0x2e: {  	s3 =	simm.s32 @!p0 $0x1082;
	s9 =	sld [smem:$0x3FB6]  }
0x2f: {  	lr =	sadd.s32 s0, s3;
	s0 =	sld [smem:$0x3FAD]  }
0x30: {  	s3 =	sld [smem:$0x3FB0]  }
0x31: {  	[smem:$0x3FB9] =	sst s10  }
0x32: {  	s10 =	sld [smem:$0x3FB7];
	_ =	sdelay $0x3  }
0x33: {  	p0 =	seq.s32 s10, $0x1;
	s10 =	sld [smem:$0x3FB9];
	_ =	sdelay $0x3  }
0x34: {  	[smem:$0x3FB9] =	sst s10  }
0x35: {  	s10 =	sld [smem:$0x3FB8];
	_ =	sdelay $0x3  }
0x36: {  	p1 =	seq.s32 s10, $0x1;
	s10 =	sld [smem:$0x3FB9];
	_ =	sdelay $0x3  }
0x37: {  	[smem:$0x3FB9] =	sst s10  }
0x38: {  	s10 =	sld [smem:$0x3FBA]  }
0x39: {  	_ = 	snop;
	(pc) =	sbr.ind lr, $3  }
0x3a: {  	_ = 	snop  }
0x3b: {  	_ = 	snop  }
0x3c: {  	p2 =	seq.s32 s10, $0x1;
	s10 =	sld [smem:$0x3FB9]  }
0x3d: {  	_ =	shalt  }
0x3e: {  	_ =	shalt  }
0x3f: {  	_ =	shalt  }
0x40: {  	_ =	shalt  }
0x41: {  	_ =	shalt  }
0x42: {  	_ =	shalt  }
0x43: {  	_ =	shalt  }
0x44: {  	_ =	shalt  }
0x45: {  	_ =	shalt  }
0x46: {  	_ =	shalt  }
0x47: {  	_ =	shalt  }
0x48: {  	_ =	shalt  }
0x49: {  	_ =	shalt  }
0x4a: {  	_ =	shalt  }
0x4b: {  	_ =	shalt  }
0x4c: {  	_ =	shalt  }
0x4d: {  	_ =	shalt  }
0x4e: {  	_ =	shalt  }
0x4f: {  	_ =	shalt  }
0x50: {  	_ =	shalt  }
0x51: {  	_ =	shalt  }
0x52: {  	_ =	shalt  }
0x53: {  	_ =	shalt  }
0x54: {  	_ =	shalt  }
0x55: {  	_ =	shalt  }
0x56: {  	_ =	shalt  }
0x57: {  	_ =	shalt  }
0x58: {  	_ =	shalt  }
0x59: {  	_ =	shalt  }
0x5a: {  	_ =	shalt  }
0x5b: {  	_ =	shalt  }
0x5c: {  	_ =	shalt  }
0x5d: {  	_ =	shalt  }
0x5e: {  	_ =	shalt  }
0x5f: {  	_ =	shalt  }
0x60: {  	_ =	shalt  }
0x61: {  	_ =	shalt  }
0x62: {  	_ =	shalt  }
0x63: {  	_ =	shalt  }
0x64: {  	_ =	shalt  }
0x65: {  	_ =	shalt  }
0x66: {  	_ =	shalt  }
0x67: {  	_ =	shalt  }
0x68: {  	_ =	shalt  }
0x69: {  	_ =	shalt  }
0x6a: {  	_ =	shalt  }
0x6b: {  	_ =	shalt  }
0x6c: {  	_ =	shalt  }
0x6d: {  	_ =	shalt  }
0x6e: {  	_ =	shalt  }
0x6f: {  	_ =	shalt  }
0x70: {  	_ =	shalt  }
0x71: {  	_ =	shalt  }
0x72: {  	_ =	shalt  }
0x73: {  	_ =	shalt  }
0x74: {  	_ =	shalt  }
0x75: {  	_ =	shalt  }
0x76: {  	_ =	shalt  }
0x77: {  	_ =	shalt  }
0x78: {  	_ =	shalt  }
0x79: {  	_ =	shalt  }
0x7a: {  	_ =	shalt  }
0x7b: {  	_ =	shalt  }
0x7c: {  	_ =	shalt  }
0x7d: {  	_ =	shalt  }
0x7e: {  	_ =	shalt  }
0x7f: {  	_ =	shalt  }
0x80: {  	_ =	shalt  }
0x81: {  	_ =	shalt  }
0x82: {  	_ =	shalt  }
0x83: {  	_ =	shalt  }
0x84: {  	_ =	shalt  }
0x85: {  	_ =	shalt  }
0x86: {  	_ =	shalt  }
0x87: {  	_ =	shalt  }
.Lfunc_end0:
.L_simem_size_0:
called_computation_lowered:
.L_overlay_start_0:
0x88: {  	s2 =	sld [smem:$0x3FD9]  }
0x89: {  	s3 =	sld [smem:$0x3FFE];
	_ =	sdelay $0x1  }
0x8a: {  	s1 =	srdreg.scid  }
0x8b: {  	s0 =	sand.u32 $0x1, s1  }
0x8c: {  	s17 =	sshll.u32 s0, $0xA;
	s2 =	sadd.s32 s3, s2  }
0x8d: {  	s2 =	sadd.s32 s2, s17  }
0x8e: {  	[smem:$0x3FC5] =	sst s2  }
0x8f: {  	_ = 	snop  }
0x90: {  	(tm) =	ssettm $0x1  }
0x91: {  	s18 =	sld [smem:$0x3FFB];
	_ =	sdelay $0x3  }
0x92: {  	_ =	strace s18  }
0x93: {  	s2 =	sld [smem:$0x3FFC];
	_ =	sdelay $0x3  }
0x94: {  	_ =	strace s2  }
0x95: {  	s2 =	sld [smem:$0x3FFD];
	_ =	sdelay $0x3  }
0x96: {  	_ =	strace s2  }
0x97: {  	_ =	strace $0x8FFFFFFF  }
0x98: {  	s19 =	sld [smem:$0x3FDB];
	_ =	sdelay $0x1  }
0x99: {  	s20 =	simm.s32 $_scs_section_size  }
0x9a: {  	s4 =	simm.s32 $_size__tile_overlayer_lowered;
	s5 =	simm.s32 $_tile_overlayer_lowered  }
0x9b: {  	s6 =	simm.s32 $0x1BFF;
	s21 =	sshll.u32 s5, $0x1;
	s3 =	sadd.s32 s20, s19  }
0x9c: {  	s22 =	simm.s32 $0x0;
	s4 =	sshll.u32 s4, $0x1;
	s5 =	sadd.s32 s21, s3  }
0x9d: {  	[timem:s22], [sflag:s6] =	dma.local [hbm:s5], s4  }
0x9e: {  	_ =	swait.ge [sflag:s6], s4  }
0x9f: {  	s4 =	ssub.s32 $0x0, s4;
	[sflag:s6] =	ssyncset.done $0x0  }
0xa0: {  	[sflag:s6] =	ssyncadd.s32 s4;
	_ =	sdelay $0x1  }
0xa1: {  	s23 =	simm.s32 $0x1B8B  }
0xa2: {  	_ =	swait.ge [sflag:s23], $0x1  }
0xa3: {  	[sflag:s23] =	ssyncset.done $0x0  }
0xa4: {  	[sflag:s23] =	ssyncadd.s32 $0xFFFFFFFF  }
0xa5: {  	s4 =	sld [smem:$0x0]  }
0xa6: {  	s5 =	sand.u32 $0xFFFFFFFE, s1  }
0xa7: {  	p0 =	sne.s32 s1, s5  }
0xa8: {  	s5 =	sshll.u32 @p0 s5, $0xE  }
0xa9: {  	s5 =	sadd.s32 @p0 $0x11B8D, s5;
	s6 =	sshll.u32 @p0 s4, $0x11  }
0xaa: {  	s5 =	sor.u32 @p0 s6, s5  }
0xab: {  	[sflag:s5] =	ssyncadd.remote.s32 @p0 $0x1;
	_ =	sdelay $0x1  }
0xac: {  	s5 =	simm.s32 @p0 $0x1B8D  }
0xad: {  	_ =	swait.eq @p0 [sflag:s5], $0x1  }
0xae: {  	[sflag:s5] =	ssyncadd.s32 @p0 $0xFFFFFFFF  }
0xaf: {  	s6 =	sshll.u32 @!p0 s1, $0xE  }
0xb0: {  	s6 =	sor.u32 @!p0 $0x4000, s6;
	s5 =	simm.s32 @!p0 $0x1B8D  }
0xb1: {  	s4 =	sshll.u32 @!p0 s4, $0x11;
	s6 =	sadd.s32 @!p0 $0x11B8D, s6;
	_ =	swait.eq @!p0 [sflag:s5], $0x1  }
0xb2: {  	s4 =	sor.u32 @!p0 s4, s6;
	[sflag:s5] =	ssyncadd.s32 @!p0 $0xFFFFFFFF  }
0xb3: {  	s25 =	simm.s32 $0x1B8E;
	s24 =	sld [smem:$0x3FFE];
	[sflag:s4] =	ssyncadd.remote.s32 @!p0 $0x1  }
0xb4: {  	s26 =	simm.s32 $execute0_lowered;
	[smem:$0x3FD2] =	sst s25  }
0xb5: {  	s5 =	sshll.u32 s26, $0x1;
	_ =	strace $0x80000049;
	[dreg:$0x1] =	wrdreg $0xFFFFFFFF  }
0xb6: {  	s28 =	simm.s32 $_size_execute0_lowered;
	s3 =	sadd.s32 s3, s5;
	[dreg:$0x0] =	wrdreg $0x0  }
0xb7: {  	s5 =	sshll.u32 s28, $0x1;
	[dreg:$0x2] =	wrdreg s3  }
0xb8: {  	[dreg:$0x3] =	wrdreg s5  }
0xb9: {  	[dreg:$0x4] =	wrdreg $0xC0  }
0xba: {  	_ =	task [dreg:s22], $0x5FFFF  }
0xbb: {  	[dreg:$0x1] =	wrdreg $0xFFFFFFFF  }
0xbc: {  	[dreg:$0x0] =	wrdreg $0x60  }
0xbd: {  	[dreg:$0x2] =	wrdreg s24  }
0xbe: {  	[dreg:$0x3] =	wrdreg $0x9  }
0xbf: {  	_ =	task.clear_ibuf [dreg:s22], $0x4FFFF;
	_ =	strace $0x90000049  }
0xc0: {  	s29 =	simm.s32 $0x9;
	_ =	strace $0x8000004B  }
0xc1: {  	_ =	swait.ge [sflag:s29], $0x1  }
0xc2: {  	[sflag:s29] =	ssyncadd.s32 $0xFFFFFFFF  }
0xc3: {  	_ =	strace $0x9000004B  }
0xc4: {  	_ =	sfence  }
0xc5: {  	s30 =	sld [smem:$0x0];
	_ =	sdelay $0x2  }
0xc6: {  	s31 =	sshll.u32 s1, $0xD;
	s1 =	sshrl.u32 s1, $0x2  }
0xc7: {  	s4 =	sand.u32 $0x4000, s31;
	s1 =	sadd.s32 s1, s30  }
0xc8: {  	s0 =	sor.u32 s4, s0;
	s1 =	sshll.u32 s1, $0x11  }
0xc9: {  	s0 =	sor.u32 s1, s0  }
0xca: {  	s0 =	sadd.s32 $0x8F2B, s0  }
0xcb: {  	[sflag:s0] =	ssyncadd.remote.s32 $0x1  }
0xcc: {  	_ =	sfence.sel $0xFFFF  }
0xcd: {  	[dreg:$0x0] =	wrdreg $0xFFFFFFFF;
	(pc) =	sbr.abs _section_cstart, $3  }
0xce: {  	[dreg:$0x1] =	wrdreg $0xFFFFFFFF  }
0xcf: {  	_ =	task.clear_ibuf [dreg:s22], $0x2FFFF;
	_ =	strace $0x9FFFFFFF  }
0xd0: {  	(tm) =	ssettm $0x7FFFFFFF  }
0xd1: {  	_ =	shalt  }
tec
execute0_lowered:
.L_overlay_start_1:
0x0: {  	(tag) =	ssettag $0x1  }
0x1: {  	s7 =	rddreg [dreg:$0x0]  }
0x2: {  	s1 =	srdreg.scid;
	s0 =	rddreg [dreg:$0x1]  }
0x3: {  	_ =	strace $0x8000004A;
	s3 =	simm.s32 $0x1;
	s5 =	simm.s32 $0x2  }
0x4: {  	s9 =	simm.s32 $0x3;
	s12 =	simm.s32 $0x0;
	s2 =	sshll.u32 s1, $0x4  }
.Ltmp0:
0x5: {  	s1 =	stileid.u32;
	s4 =	sand.u32 $0x10, s2;
	(pc) =	sbr.rel .LBB2_1-.Ltmp0, $4  }
0x6: {  	s10 =	simm.s32 $0x0;
	[sflag:s3] =	ssyncpa.u1 $0x0;
	s4 =	sor.u32 s1, s4  }
0x7: {  	s6 =	sadd.s32 $0x59000, s7;
	[sflag:s5] =	ssyncpa.u1 $0x0;
	s4 =	smul.u32 $0x180, s4  }
0x8: {  	s2 =	sadd.s32 $0x1800, s7;
	s7 =	sadd.s32 $0x59600, s7;
	[sflag:s9] =	ssyncpa.u1 $0x0  }
0x9: {  	vm0 =	vmmov $0xff;
	vm1 =	vcmask $0x3F20;
	s9 =	simm.s32 $0x180;
	s8 =	sadd.s32 $0x180, s4;
	s11 =	smov.u32 s4  }
.LBB2_10:
0xa: {  	s12 =	sshrl.u32 s11, $0x3  }
0xb: {  	s13 =	sand.u32 $0x7, s11;
	s12 =	sadd.s32 s6, s12  }
0xc: {  	[tilespmem:s9], [sflag:$0x2] =	stream.linear.gather [hbm4b:s12+s13], $0x180, $0x38;
	[tilespmem:$0x18300] =	vst v63  }
.LBB2_8:
0xd: {  	s12 =	sadd.s32 $0x180, s11  }
0xe: {  	s13 =	smov.u32 s4;
	p0 =	slt.s32 s12, s8  }
0xf: {  	s13 =	smov.u32 @p0 s12  }
0x10: {  	s10 =	sadd.s32 $0x1, s10;
	s12 =	smov.u32 s11;
	s11 =	smov.u32 s13  }
.LBB2_1:
0x11: {  	p0 =	seq.s32 s10, $0x0  }
.Ltmp1:
0x12: {  	_ = 	snop;
	(pc) =	sbr.rel @p0 .LBB2_10-.Ltmp1, $1  }
0x13: {  	_ =	sdelay $0x3  }
0x14: {  	p0 =	seq.s32 s10, $0x1  }
.Ltmp2:
0x15: {  	_ = 	snop;
	(pc) =	sbr.rel @!p0 .LBB2_9-.Ltmp2, $1  }
0x16: {  	_ =	sdelay $0x3  }
0x17: {  	_ =	swait.ge [sflag:s5], $0x180  }
0x18: {  	[sflag:s5] =	ssyncset.done $0x0  }
0x19: {  	s13 =	simm.s32 $0x0;
	[sflag:s5] =	ssyncadd.s32 $0xFFFFFE80  }
0x1a: {  	v0 =	vld.msk [tilespmem:s13+$0x180 ss:$0x1], $0xffff;
	_ =	sdelay $0x4  }
0x1b: {  	vm2 =	vgt.s32 v0, $0x0  }
0x1c: {  	v0 =	vnsel vm2, $0x0, v0  }
0x1d: {  	v0 =	vmin.u32 v0, $0x270F  }
0x1e: {  	v0 =	vshll.u32 v0, $0x4;
	_ =	sdelay $0x3  }
0x1f: {  	s13 =	simm.s32 $0xC300  }
0x20: {  	[tilespmem:s13], [sflag:$0x1] =	stream.indirect_vreg.gather [hbm:s2], $0x80, v0, vm0, $0x38;
	[tilespmem:$0x18300] =	vst v63  }
0x21: {  	s14 =	simm.s32 $0xC700;
	s31 =	simm.s32 $0x10  }
0x22: {  	[tilespmem:s14], [sflag:$0x1] =	stream.indirect_vreg.gather [hbm:s2], $0x80, v0, vm1, $0x38;
	[tilespmem:$0x18300] =	vst v63  }
0x23: {  	s14 =	simm.s32 $0x80;
	v0 =	vld.msk [tilespmem:s31+$0x180 ss:$0x1], $0xffff  }
.LBB2_4:
0x24: {  	p0 =	sne.s32 s14, $0x5C0;
	_ =	sdelay $0x4  }
0x25: {  	vm2 =	vgt.s32 v0, $0x0  }
0x26: {  	v0 =	vnsel vm2, $0x0, v0  }
0x27: {  	v0 =	vmin.u32 v0, $0x270F  }
0x28: {  	v0 =	vshll.u32 v0, $0x4;
	_ =	sdelay $0x3  }
.Ltmp3:
0x29: {  	s13 =	sadd.s32 $0x800, s13;
	(pc) =	sbr.rel @p0 .LBB2_4-.Ltmp3, $4  }
0x2a: {  	[tilespmem:s13], [sflag:$0x1] =	stream.indirect_vreg.gather [hbm:s2], $0x80, v0, vm0, $0x38;
	[tilespmem:$0x18300] =	vst v63  }
0x2b: {  	s15 =	sshra.s32 s14, $0x2;
	s16 =	sadd.s32 $0x400, s13  }
0x2c: {  	[tilespmem:s16], [sflag:$0x1] =	stream.indirect_vreg.gather [hbm:s2], $0x80, v0, vm1, $0x38;
	[tilespmem:$0x18300] =	vst v63  }
0x2d: {  	s14 =	sadd.s32 $0x40, s14;
	v0 =	vld.msk [tilespmem:s15+$0x180 ss:$0x1], $0xffff  }
0x2e: {  	_ =	sdelay $0x3  }
0x2f: {  	vm2 =	vgt.s32 v0, $0x0  }
0x30: {  	v0 =	vnsel vm2, $0x0, v0  }
0x31: {  	v0 =	vmin.u32 v0, $0x270F  }
0x32: {  	v0 =	vshll.u32 v0, $0x4;
	_ =	sdelay $0x3  }
0x33: {  	s13 =	sadd.s32 $0x800, s13  }
0x34: {  	[tilespmem:s13], [sflag:$0x1] =	stream.indirect_vreg.gather [hbm:s2], $0x80, v0, vm0, $0x38;
	[tilespmem:$0x18300] =	vst v63  }
0x35: {  	s13 =	sadd.s32 $0x400, s13  }
0x36: {  	[tilespmem:s13], [sflag:$0x1] =	stream.indirect_vreg.gather [hbm:s2], $0x80, v0, vm1, $0x38;
	[tilespmem:$0x18300] =	vst v63  }
0x37: {  	s12 =	sshll.u32 s12, $0x4;
	s14 =	simm.s32 $0x80;
	_ =	swait.ge [sflag:s3], $0xC000  }
0x38: {  	s15 =	simm.s32 $0xC700;
	s12 =	sadd.s32 s12, s7;
	[sflag:s3] =	ssyncset.done $0x0  }
0x39: {  	s16 =	sadd.s32 $0x0, s12;
	s13 =	simm.s32 $0xC300;
	[sflag:s3] =	ssyncadd.s32 $0xFFFF4000  }
.LBB2_6:
0x3a: {  	[hbm:s16] =	stream.linear.scatter [tilespmem:s13], [sflag:$0x3], $0x400, $0x38;
	[tilespmem:$0x18300] =	vst v63  }
0x3b: {  	s16 =	smov.u32 s14;
	s13 =	smov.u32 s15;
	p0 =	seq.s32 s14, $0x1780  }
.Ltmp4:
0x3c: {  	s14 =	sadd.s32 $0x80, s14;
	(pc) =	sbr.rel @!p0 .LBB2_6-.Ltmp4, $2  }
0x3d: {  	_ =	sdelay $0x2  }
0x3e: {  	s15 =	sadd.s32 $0x400, s15;
	s16 =	sadd.s32 s16, s12  }
.Ltmp5:
0x3f: {  	(pc) =	sbr.rel .LBB2_8-.Ltmp5, $2  }
0x40: {  	_ =	sdelay $0x2  }
0x41: {  	[hbm:s16] =	stream.linear.scatter [tilespmem:s13], [sflag:$0x3], $0x400, $0x38;
	[tilespmem:$0x18300] =	vst v63  }
.LBB2_9:
0x42: {  	s2 =	simm.s32 $0x3  }
0x43: {  	_ =	swait.ge [sflag:s2], $0xC000  }
0x44: {  	[sflag:s2] =	ssyncset.done $0x0  }
0x45: {  	[sflag:s2] =	ssyncadd.s32 $0xFFFF4000  }
0x46: {  	_ =	sfence.sel $0x180000  }
0x47: {  	s3 =	simm.s32 $0x2;
	[bflag:$0x0] =	sbarrier.arrive $0xFFFF  }
0x48: {  	[sflag:s3] =	ssyncpa.u1 $0x1  }
0x49: {  	s31 =	simm.s32 $0x1;
	[sflag:s2] =	ssyncpa.u1 $0x1  }
0x4a: {  	[sflag:s31] =	ssyncpa.u1 $0x1  }
0x4b: {  	p0 =	sne.s32 s1, $0x0;
	_ =	strace $0x9000004A  }
0x4c: {  	s0 =	sadd.s32 @!p0 $0x100000, s0;
	[bflag:$0x2] =	sbarrier.arrive $0xFFFF  }
0x4d: {  	[sflag:s0] =	ssyncadd.tile.s32 @!p0 $0x1;
	_ =	shalt  }
.Lfunc_end2:
_tile_overlayer_lowered:
.L_overlay_start_2:
0x4e: {  	(tag) =	ssettag $0x2  }
0x4f: {  	s0 =	rddreg [dreg:$0x0];
	s2 =	stileid.u32  }
0x50: {  	s1 =	rddreg [dreg:$0x1];
	p0 =	sne.s32 s2, $0x0  }
0x51: {  	s3 =	rddreg [dreg:$0x2];
	[bflag:$0x3] =	sbarrier.arrive $0xFFFF;
	s2 =	simm.s32 @!p0 $0x1C01  }
0x52: {  	[timem:s3], [sflag:s2] =	dma.local @!p0 [hbm:s0], s1  }
0x53: {  	s0 =	simm.s32 @!p0 $0x1  }
0x54: {  	_ =	swait.ge @!p0 [sflag:s0], s1  }
0x55: {  	s1 =	ssub.s32 @!p0 $0x0, s1;
	[sflag:s0] =	ssyncset.done @!p0 $0x0  }
0x56: {  	[sflag:s0] =	ssyncadd.s32 @!p0 s1  }
0x57: {  	[bflag:$0x3] =	sbarrier.arrive $0xFFFF  }
0x58: {  	_ =	shalt  }

// kernel: kernel.4.cloned.1.call-start
scs
__scs_entry_jumppad:
0x0: {  	(pc) =	sbr.rel $0x88, $3  }
0x1: {  	(tag) =	ssettag $0x0;
	lr =	simm.s32 $0x1  }
0x2: {  	[smem:$0x3F9E] =	sst lr;
	_ =	strace $0xD0000000  }
0x3: {  	_ = 	snop  }
0x4: {  	_ = 	snop  }
0x5: {  	_ = 	snop  }
0x6: {  	_ = 	snop  }
0x7: {  	_ = 	snop  }
__scs_overlays_trampoline_lowered:
0x8: {  	[smem:$0x3FAD] =	sst s0  }
0x9: {  	[smem:$0x3FAE] =	sst s1  }
0xa: {  	[smem:$0x3FAF] =	sst s2  }
0xb: {  	[smem:$0x3FB0] =	sst s3  }
0xc: {  	[smem:$0x3FB1] =	sst s4  }
0xd: {  	[smem:$0x3FB2] =	sst s5  }
0xe: {  	[smem:$0x3FB3] =	sst s6  }
0xf: {  	[smem:$0x3FB4] =	sst s7  }
0x10: {  	[smem:$0x3FB5] =	sst s8  }
0x11: {  	[smem:$0x3FB6] =	sst s9;
	s0 =	simm.s32 @!p0 $0x0  }
0x12: {  	s1 =	sld [smem:$0x3F9C];
	s0 =	simm.s32 @p0 $0x1  }
0x13: {  	[smem:$0x3FB7] =	sst s0;
	s0 =	simm.s32 @!p1 $0x0  }
0x14: {  	s2 =	sld [smem:$0x3F9B];
	s0 =	simm.s32 @p1 $0x1  }
0x15: {  	[smem:$0x3FB8] =	sst s0;
	s0 =	simm.s32 @!p2 $0x0  }
0x16: {  	s3 =	sld [smem:$0x3FDB];
	s0 =	simm.s32 @p2 $0x1  }
0x17: {  	s4 =	simm.s32 $0x1BF5;
	[smem:$0x3FBA] =	sst s0  }
0x18: {  	s0 =	sld [smem:$0x3F9D];
	_ =	swait.ge [sflag:s4], $0x0  }
0x19: {  	s7 =	sld [smem:$0x3F9E]  }
0x1a: {  	s8 =	sadd.s32 $0xFFFFE003, lr  }
0x1b: {  	s9 =	sadd.s32 $0xFFFFFEF7, lr;
	s5 =	simm.s32 $0xFFFFFFFF;
	p2 =	slt.u32 s8, $0xFFFFF086  }
0x1c: {  	p1 =	slt.u32 s9, $0xF7A;
	s5 =	simm.s32 @!p2 $0x0  }
0x1d: {  	s5 =	simm.s32 @p1 $0x1;
	p0 =	seq.s32 s7, s2  }
0x1e: {  	s7 =	smul.u32 @!p0 $0xF7A, s2;
	p2 =	seq.s32 @!p0 s5, $0x0  }
0x1f: {  	s9 =	smul.u32 $0xF7A, s1;
	s8 =	simm.s32 @!p0 $0x1BF5;
	p2 =	por !p2, p0  }
0x20: {  	[sflag:s8] =	ssyncset.s32 @!p0 $0xFFFFF086;
	s6 =	sadd.s32 @!p0 s3, s7;
	s7 =	simm.s32 @!p0 $0x108  }
0x21: {  	s3 =	sadd.s32 s3, s9;
	s6 =	sadd.s32 @!p0 $0x88, s6;
	s7 =	simm.s32 @p2 $0x1082  }
0x22: {  	[simem:s7], [sflag:s8] =	dma.local @!p0 [hbm:s6], $0xF7A  }
0x23: {  	s9 =	sor.u32 $0xD0000000, s2;
	s6 =	simm.s32 $0x108;
	_ =	swait.ge @!p0 [sflag:s8], $0x0  }
0x24: {  	s3 =	sadd.s32 $0x88, s3;
	s6 =	simm.s32 @!p1 $0x1082;
	[sflag:s4] =	ssyncset.s32 $0xFFFFF086  }
0x25: {  	[simem:s6], [sflag:s4] =	dma.local [hbm:s3], $0xF7A  }
0x26: {  	[smem:$0x3F9E] =	sst s1;
	(tag) =	ssettag s2;
	_ =	strace s9  }
0x27: {  	s1 =	sld [smem:$0x3FAE]  }
0x28: {  	s2 =	sld [smem:$0x3FAF]  }
0x29: {  	s4 =	sld [smem:$0x3FB1]  }
0x2a: {  	p0 =	seq.s32 s5, $0x0;
	s5 =	sld [smem:$0x3FB2]  }
0x2b: {  	s6 =	sld [smem:$0x3FB3]  }
0x2c: {  	s7 =	sld [smem:$0x3FB4]  }
0x2d: {  	s3 =	simm.s32 $0x108;
	s8 =	sld [smem:$0x3FB5]  }
0x2e: {  	s3 =	simm.s32 @!p0 $0x1082;
	s9 =	sld [smem:$0x3FB6]  }
0x2f: {  	lr =	sadd.s32 s0, s3;
	s0 =	sld [smem:$0x3FAD]  }
0x30: {  	s3 =	sld [smem:$0x3FB0]  }
0x31: {  	[smem:$0x3FB9] =	sst s10  }
0x32: {  	s10 =	sld [smem:$0x3FB7];
	_ =	sdelay $0x3  }
0x33: {  	p0 =	seq.s32 s10, $0x1;
	s10 =	sld [smem:$0x3FB9];
	_ =	sdelay $0x3  }
0x34: {  	[smem:$0x3FB9] =	sst s10  }
0x35: {  	s10 =	sld [smem:$0x3FB8];
	_ =	sdelay $0x3  }
0x36: {  	p1 =	seq.s32 s10, $0x1;
	s10 =	sld [smem:$0x3FB9];
	_ =	sdelay $0x3  }
0x37: {  	[smem:$0x3FB9] =	sst s10  }
0x38: {  	s10 =	sld [smem:$0x3FBA]  }
0x39: {  	_ = 	snop;
	(pc) =	sbr.ind lr, $3  }
0x3a: {  	_ = 	snop  }
0x3b: {  	_ = 	snop  }
0x3c: {  	p2 =	seq.s32 s10, $0x1;
	s10 =	sld [smem:$0x3FB9]  }
0x3d: {  	_ =	shalt  }
0x3e: {  	_ =	shalt  }
0x3f: {  	_ =	shalt  }
0x40: {  	_ =	shalt  }
0x41: {  	_ =	shalt  }
0x42: {  	_ =	shalt  }
0x43: {  	_ =	shalt  }
0x44: {  	_ =	shalt  }
0x45: {  	_ =	shalt  }
0x46: {  	_ =	shalt  }
0x47: {  	_ =	shalt  }
0x48: {  	_ =	shalt  }
0x49: {  	_ =	shalt  }
0x4a: {  	_ =	shalt  }
0x4b: {  	_ =	shalt  }
0x4c: {  	_ =	shalt  }
0x4d: {  	_ =	shalt  }
0x4e: {  	_ =	shalt  }
0x4f: {  	_ =	shalt  }
0x50: {  	_ =	shalt  }
0x51: {  	_ =	shalt  }
0x52: {  	_ =	shalt  }
0x53: {  	_ =	shalt  }
0x54: {  	_ =	shalt  }
0x55: {  	_ =	shalt  }
0x56: {  	_ =	shalt  }
0x57: {  	_ =	shalt  }
0x58: {  	_ =	shalt  }
0x59: {  	_ =	shalt  }
0x5a: {  	_ =	shalt  }
0x5b: {  	_ =	shalt  }
0x5c: {  	_ =	shalt  }
0x5d: {  	_ =	shalt  }
0x5e: {  	_ =	shalt  }
0x5f: {  	_ =	shalt  }
0x60: {  	_ =	shalt  }
0x61: {  	_ =	shalt  }
0x62: {  	_ =	shalt  }
0x63: {  	_ =	shalt  }
0x64: {  	_ =	shalt  }
0x65: {  	_ =	shalt  }
0x66: {  	_ =	shalt  }
0x67: {  	_ =	shalt  }
0x68: {  	_ =	shalt  }
0x69: {  	_ =	shalt  }
0x6a: {  	_ =	shalt  }
0x6b: {  	_ =	shalt  }
0x6c: {  	_ =	shalt  }
0x6d: {  	_ =	shalt  }
0x6e: {  	_ =	shalt  }
0x6f: {  	_ =	shalt  }
0x70: {  	_ =	shalt  }
0x71: {  	_ =	shalt  }
0x72: {  	_ =	shalt  }
0x73: {  	_ =	shalt  }
0x74: {  	_ =	shalt  }
0x75: {  	_ =	shalt  }
0x76: {  	_ =	shalt  }
0x77: {  	_ =	shalt  }
0x78: {  	_ =	shalt  }
0x79: {  	_ =	shalt  }
0x7a: {  	_ =	shalt  }
0x7b: {  	_ =	shalt  }
0x7c: {  	_ =	shalt  }
0x7d: {  	_ =	shalt  }
0x7e: {  	_ =	shalt  }
0x7f: {  	_ =	shalt  }
0x80: {  	_ =	shalt  }
0x81: {  	_ =	shalt  }
0x82: {  	_ =	shalt  }
0x83: {  	_ =	shalt  }
0x84: {  	_ =	shalt  }
0x85: {  	_ =	shalt  }
0x86: {  	_ =	shalt  }
0x87: {  	_ =	shalt  }
.Lfunc_end0:
.L_simem_size_0:
called_computation.2_lowered:
.L_overlay_start_0:
0x88: {  	s2 =	sld [smem:$0x3FD9]  }
0x89: {  	s3 =	sld [smem:$0x3FFE];
	_ =	sdelay $0x1  }
0x8a: {  	s1 =	srdreg.scid  }
0x8b: {  	s0 =	sand.u32 $0x1, s1  }
0x8c: {  	s16 =	sshll.u32 s0, $0xA;
	s2 =	sadd.s32 s3, s2  }
0x8d: {  	s2 =	sadd.s32 s2, s16  }
0x8e: {  	[smem:$0x3FC5] =	sst s2  }
0x8f: {  	_ = 	snop  }
0x90: {  	(tm) =	ssettm $0x1  }
0x91: {  	s17 =	sld [smem:$0x3FFB];
	_ =	sdelay $0x3  }
0x92: {  	_ =	strace s17  }
0x93: {  	s2 =	sld [smem:$0x3FFC];
	_ =	sdelay $0x3  }
0x94: {  	_ =	strace s2  }
0x95: {  	s2 =	sld [smem:$0x3FFD];
	_ =	sdelay $0x3  }
0x96: {  	_ =	strace s2  }
0x97: {  	_ =	strace $0x8FFFFFFF  }
0x98: {  	s18 =	sld [smem:$0x3FDB];
	_ =	sdelay $0x1  }
0x99: {  	s19 =	simm.s32 $_scs_section_size  }
0x9a: {  	s4 =	simm.s32 $_size__tile_overlayer_lowered;
	s5 =	simm.s32 $_tile_overlayer_lowered  }
0x9b: {  	s22 =	simm.s32 $0x1BFF;
	s21 =	sshll.u32 s5, $0x1;
	s2 =	sadd.s32 s19, s18  }
0x9c: {  	s6 =	simm.s32 $0x0;
	s20 =	sshll.u32 s4, $0x1;
	s4 =	sadd.s32 s21, s2  }
0x9d: {  	[timem:s6], [sflag:s22] =	dma.local [hbm:s4], s20  }
0x9e: {  	_ =	swait.ge [sflag:s22], s20  }
0x9f: {  	s3 =	ssub.s32 $0x0, s20;
	[sflag:s22] =	ssyncset.done $0x0  }
0xa0: {  	[sflag:s22] =	ssyncadd.s32 s3;
	_ =	sdelay $0x1  }
0xa1: {  	s23 =	simm.s32 $0x1B8B  }
0xa2: {  	_ =	swait.ge [sflag:s23], $0x1  }
0xa3: {  	[sflag:s23] =	ssyncset.done $0x0  }
0xa4: {  	s25 =	simm.s32 $0x1B8E;
	s24 =	sld [smem:$0x3FFE];
	[sflag:s23] =	ssyncadd.s32 $0xFFFFFFFF  }
0xa5: {  	s26 =	simm.s32 $execute0_lowered;
	[smem:$0x3FD2] =	sst s25  }
0xa6: {  	s4 =	sshll.u32 s26, $0x1;
	_ =	strace $0x8000004C;
	[dreg:$0x1] =	wrdreg $0xFFFFFFFF  }
0xa7: {  	s28 =	simm.s32 $_size_execute0_lowered;
	s2 =	sadd.s32 s2, s4;
	[dreg:$0x0] =	wrdreg $0x0  }
0xa8: {  	s4 =	sshll.u32 s28, $0x1;
	[dreg:$0x2] =	wrdreg s2  }
0xa9: {  	[dreg:$0x3] =	wrdreg s4  }
0xaa: {  	[dreg:$0x4] =	wrdreg $0xC0  }
0xab: {  	_ =	task [dreg:s6], $0x5FFFF  }
0xac: {  	[dreg:$0x1] =	wrdreg $0xFFFFFFFF  }
0xad: {  	[dreg:$0x0] =	wrdreg $0x60  }
0xae: {  	[dreg:$0x2] =	wrdreg s24  }
0xaf: {  	[dreg:$0x3] =	wrdreg $0x9  }
0xb0: {  	_ =	task.clear_ibuf [dreg:s6], $0x4FFFF;
	_ =	strace $0x9000004C  }
0xb1: {  	s29 =	simm.s32 $0x9;
	_ =	strace $0x8000004E  }
0xb2: {  	_ =	swait.ge [sflag:s29], $0x1  }
0xb3: {  	[sflag:s29] =	ssyncadd.s32 $0xFFFFFFFF  }
0xb4: {  	_ =	strace $0x9000004E  }
0xb5: {  	_ =	sfence  }
0xb6: {  	s30 =	sld [smem:$0x0];
	_ =	sdelay $0x2  }
0xb7: {  	s31 =	sshll.u32 s1, $0xD;
	s1 =	sshrl.u32 s1, $0x2  }
0xb8: {  	s3 =	sand.u32 $0x4000, s31;
	s1 =	sadd.s32 s1, s30  }
0xb9: {  	s0 =	sor.u32 s3, s0;
	s1 =	sshll.u32 s1, $0x11  }
0xba: {  	s0 =	sor.u32 s1, s0  }
0xbb: {  	s0 =	sadd.s32 $0x8F2B, s0  }
0xbc: {  	[sflag:s0] =	ssyncadd.remote.s32 $0x1  }
0xbd: {  	_ =	sfence.sel $0xFFFF  }
0xbe: {  	[dreg:$0x0] =	wrdreg $0xFFFFFFFF;
	(pc) =	sbr.abs _section_cstart, $3  }
0xbf: {  	[dreg:$0x1] =	wrdreg $0xFFFFFFFF  }
0xc0: {  	_ =	task.clear_ibuf [dreg:s6], $0x2FFFF;
	_ =	strace $0x9FFFFFFF  }
0xc1: {  	(tm) =	ssettm $0x7FFFFFFF  }
tec
execute0_lowered:
.L_overlay_start_1:
0x0: {  	(tag) =	ssettag $0x1  }
0x1: {  	s0 =	rddreg [dreg:$0x0]  }
0x2: {  	s1 =	simm.s32 $0x0;
	s3 =	srdreg.scid;
	s8 =	stileid.u32  }
0x3: {  	s17 =	simm.s32 $0x1;
	s22 =	simm.s32 $0xA100;
	s23 =	simm.s32 $0xC880  }
0x4: {  	s24 =	simm.s32 $0xD880;
	s25 =	simm.s32 $0xE880;
	s26 =	simm.s32 $0xF880  }
0x5: {  	s28 =	simm.s32 $0x13880;
	s29 =	simm.s32 $0x17880;
	s30 =	simm.s32 $0x0  }
0x6: {  	[smem:$0x7FF] =	sst s1;
	s2 =	sadd.s32 $0x1C00, s0;
	s4 =	sadd.s32 $0x1A00, s0  }
0x7: {  	s5 =	sadd.s32 $0x1800, s0;
	s6 =	sadd.s32 $0x8A200, s0;
	s3 =	sand.u32 $0x1, s3  }
0x8: {  	s7 =	sadd.s32 $0x89C00, s0;
	s10 =	sshll.u32 s8, $0x8;
	s8 =	sadd.s32 $0x89600, s0  }
0x9: {  	s9 =	sadd.s32 $0x1600, s0;
	s11 =	sshll.u32 s3, $0x7;
	s3 =	ssub.s32 $0x2, s3  }
0xa: {  	v0 =	vlaneseq.u32;
	s12 =	sadd.s32 $0x1200, s0;
	s10 =	sor.u32 s11, s10;
	s31 =	sshrl.u32 s3, $0x1  }
0xb: {  	v0 =	vmul.u32 $0xFFFFFFFF, v0;
	_ =	strace $0x8000004D;
	s13 =	sshll.u32 s10, $0x4;
	s3 =	ssub.s32 s3, s31  }
0xc: {  	s11 =	sadd.s32 $0x1400, s0;
	s0 =	sadd.s32 s13, s0;
	s16 =	smax.u32 s3, $0x1  }
0xd: {  	v1 =	vimm.f32 $0.0e+00;
	v0 =	vadd.s32 $0xF, v0;
	s13 =	sadd.s32 $0x1E00, s0;
	s14 =	sadd.s32 $0x11E00, s0;
	s15 =	sadd.s32 $0x21E00, s0  }
.LBB2_1:
0xe: {  	[tilespmem:s1], [sflag:$0x1] =	stream.linear.gather [hbm4b:s2+s1], $0x1000, $0x38;
	[tilespmem:$0x1B880] =	vst v63  }
0xf: {  	_ =	swait.ge [sflag:s17], $0x1000  }
0x10: {  	[sflag:s17] =	ssyncset.done $0x0  }
0x11: {  	s0 =	simm.s32 $0x1080;
	[sflag:s17] =	ssyncadd.s32 $0xFFFFF000  }
0x12: {  	[tilespmem:s0], [sflag:$0x1] =	stream.linear.gather [hbm4b:s4+s1], $0x1000, $0x38;
	[tilespmem:$0x1B880] =	vst v63  }
0x13: {  	_ =	swait.ge [sflag:s17], $0x1000  }
0x14: {  	[sflag:s17] =	ssyncset.done $0x0  }
0x15: {  	s19 =	simm.s32 $0x2100;
	[sflag:s17] =	ssyncadd.s32 $0xFFFFF000  }
0x16: {  	[tilespmem:s19], [sflag:$0x1] =	stream.linear.gather [hbm4b:s5+s1], $0x1000, $0x38;
	[tilespmem:$0x1B880] =	vst v63  }
0x17: {  	_ =	swait.ge [sflag:s17], $0x1000  }
0x18: {  	[sflag:s17] =	ssyncset.done $0x0  }
0x19: {  	s20 =	simm.s32 $0x5200;
	[sflag:s17] =	ssyncadd.s32 $0xFFFFF000  }
0x1a: {  	[tilespmem:s20], [sflag:$0x1] =	stream.linear.gather [hbm4b:s6+s1], $0x2780, $0x38;
	[tilespmem:$0x1B880] =	vst v63  }
0x1b: {  	_ =	swait.ge [sflag:s17], $0x2780  }
0x1c: {  	[sflag:s17] =	ssyncset.done $0x0  }
0x1d: {  	s21 =	simm.s32 $0x7980;
	[sflag:s17] =	ssyncadd.s32 $0xFFFFD880  }
0x1e: {  	[tilespmem:s21], [sflag:$0x1] =	stream.linear.gather [hbm4b:s7+s1], $0x2780, $0x38;
	[tilespmem:$0x1B880] =	vst v63  }
0x1f: {  	_ =	swait.ge [sflag:s17], $0x2780  }
0x20: {  	[sflag:s17] =	ssyncset.done $0x0  }
0x21: {  	[sflag:s17] =	ssyncadd.s32 $0xFFFFD880  }
0x22: {  	[tilespmem:s22], [sflag:$0x1] =	stream.linear.gather [hbm4b:s8+s1], $0x2780, $0x38;
	[tilespmem:$0x1B880] =	vst v63  }
0x23: {  	_ =	swait.ge [sflag:s17], $0x2780  }
0x24: {  	[sflag:s17] =	ssyncset.done $0x0  }
0x25: {  	[sflag:s17] =	ssyncadd.s32 $0xFFFFD880  }
0x26: {  	[tilespmem:s23], [sflag:$0x1] =	stream.linear.gather [hbm4b:s9+s1], $0x1000, $0x38;
	[tilespmem:$0x1B880] =	vst v63  }
0x27: {  	_ =	swait.ge [sflag:s17], $0x1000  }
0x28: {  	[sflag:s17] =	ssyncset.done $0x0  }
0x29: {  	[sflag:s17] =	ssyncadd.s32 $0xFFFFF000  }
0x2a: {  	[tilespmem:s24], [sflag:$0x1] =	stream.linear.gather [hbm4b:s11+s1], $0x1000, $0x38;
	[tilespmem:$0x1B880] =	vst v63  }
0x2b: {  	_ =	swait.ge [sflag:s17], $0x1000  }
0x2c: {  	[sflag:s17] =	ssyncset.done $0x0  }
0x2d: {  	[sflag:s17] =	ssyncadd.s32 $0xFFFFF000  }
0x2e: {  	[tilespmem:s25], [sflag:$0x1] =	stream.linear.gather [hbm4b:s12+s1], $0x1000, $0x38;
	[tilespmem:$0x1B880] =	vst v63  }
0x2f: {  	_ =	swait.ge [sflag:s17], $0x1000  }
0x30: {  	[sflag:s17] =	ssyncset.done $0x0  }
0x31: {  	s31 =	simm.s32 $0x0;
	[sflag:s17] =	ssyncadd.s32 $0xFFFFF000  }
.LBB2_2:
0x32: {  	s0 =	sor.u32 s10, s31  }
0x33: {  	v3 =	vld.msk [tilespmem:s0+$0x0 ss:$0x0], $0xffff  }
0x34: {  	v2 =	vld.msk [tilespmem:s0+$0x1080 ss:$0x0], $0xffff  }
0x35: {  	v4 =	vld.msk [tilespmem:s0+$0x2100 ss:$0x0], $0xffff;
	s0 =	simm.s32 $0x0  }
0x36: {  	v6 =	vld [tilespmem:s0+$0x2120]  }
0x37: {  	v5 =	vld [tilespmem:s0+$0x1090]  }
0x38: {  	v7 =	vld [tilespmem:s0+$0x10A0]  }
0x39: {  	v8 =	vld [tilespmem:s0+$0x0]  }
0x3a: {  	v9 =	vld [tilespmem:s0+$0x20]  }
0x3b: {  	v10 =	vld [tilespmem:s0+$0x1080]  }
0x3c: {  	v11 =	vld [tilespmem:s0+$0x10]  }
0x3d: {  	v12 =	vld [tilespmem:s0+$0x2100]  }
0x3e: {  	v14 =	vld [tilespmem:s0+$0x30]  }
0x3f: {  	v15 =	vld [tilespmem:s0+$0x10B0];
	v16 =	vsub.f32 v5, v2  }
0x40: {  	v17 =	vld [tilespmem:s0+$0x2130];
	v7 =	vsub.f32 v7, v2;
	v9 =	vsub.f32 v9, v3  }
0x41: {  	v13 =	vld [tilespmem:s0+$0x2110];
	v11 =	vsub.f32 v11, v3;
	v8 =	vsub.f32 v8, v3  }
0x42: {  	s3 =	simm.s32 $0x40;
	v10 =	vsub.f32 v10, v2;
	v6 =	vsub.f32 v6, v4  }
0x43: {  	v20 =	vld [tilespmem:s3+$0x10A0];
	v12 =	vsub.f32 v12, v4;
	v14 =	vsub.f32 v14, v3;
	v16 =	vmul.f32 v16, v16  }
0x44: {  	v18 =	vld [tilespmem:s3+$0x2120];
	v15 =	vsub.f32 v15, v2;
	v11 =	vmul.f32 v11, v11;
	v8 =	vmul.f32 v8, v8  }
0x45: {  	v19 =	vld [tilespmem:s3+$0x1090];
	v17 =	vsub.f32 v17, v4;
	v10 =	vmul.f32 v10, v10;
	v7 =	vmul.f32 v7, v7  }
0x46: {  	v21 =	vld [tilespmem:s3+$0x0];
	v22 =	vmul.f32 v6, v6;
	v6 =	vsub.f32 v13, v4;
	v24 =	vmul.f32 v9, v9  }
0x47: {  	v23 =	vld [tilespmem:s3+$0x20];
	v12 =	vmul.f32 v12, v12;
	v16 =	vadd.f32 v16, v11;
	v10 =	vadd.f32 v10, v8  }
0x48: {  	v13 =	vld [tilespmem:s3+$0x10];
	v6 =	vmul.f32 v6, v6;
	v24 =	vadd.f32 v7, v24;
	v7 =	vsub.f32 v20, v2  }
0x49: {  	v5 =	vimm.f32 $+Inf;
	v9 =	vld [tilespmem:s3+$0x2110];
	v20 =	vsub.f32 v18, v4;
	v10 =	vadd.f32 v12, v10  }
0x4a: {  	v8 =	vld [tilespmem:s3+$0x1080];
	v12 =	vmul.f32 v14, v14;
	v14 =	vmul.f32 v15, v15;
	v6 =	vadd.f32 v6, v16  }
0x4b: {  	v17 =	vmul.f32 v17, v17;
	v11 =	vld [tilespmem:s3+$0x2100];
	v18 =	vsub.f32 v21, v3;
	v16 =	vsub.f32 v19, v2;
	[tilespmem:s0+$0x3180] =	vst v10  }
0x4c: {  	v7 =	vmul.f32 v7, v7;
	v15 =	vmin.f32 v5, v10;
	v19 =	vadd.f32 v14, v12;
	v12 =	vld [tilespmem:s3+$0x30];
	[tilespmem:s0+$0x3190] =	vst v6  }
0x4d: {  	s18 =	simm.s32 $0x200;
	v10 =	vsub.f32 v23, v3;
	v14 =	vadd.f32 v22, v24;
	v6 =	vmin.f32 v15, v6;
	v15 =	vld [tilespmem:s3+$0x10B0]  }
.LBB2_3:
0x4e: {  	s19 =	sshra.s32 s18, $0x2;
	p0 =	sne.s32 s18, $0x3F00;
	s18 =	sadd.s32 $0x100, s18;
	v13 =	vsub.f32 v13, v3;
	v16 =	vmul.f32 v16, v16;
	v21 =	vld [tilespmem:s3+$0x2130];
	v17 =	vadd.f32 v17, v19  }
0x4f: {  	v8 =	vsub.f32 v8, v2;
	v23 =	vmul.f32 v20, v20;
	v22 =	vld [tilespmem:s19+$0x2120];
	[tilespmem:s0+$0x31A0] =	vst v14;
	v5 =	vmin.f32 v5, v14  }
0x50: {  	v11 =	vsub.f32 v11, v4;
	v14 =	vld [tilespmem:s19+$0x1090];
	v13 =	vmul.f32 v13, v13;
	[tilespmem:s0+$0x31B0] =	vst v17;
	v5 =	vmin.f32 v5, v17;
	s0 =	smov.u32 s3;
	s3 =	smov.u32 s19  }
0x51: {  	v17 =	vmul.f32 v18, v18;
	v8 =	vmul.f32 v8, v8;
	v9 =	vsub.f32 v9, v4;
	v19 =	vld [tilespmem:s3+$0x10A0]  }
0x52: {  	v11 =	vmul.f32 v11, v11;
	v12 =	vsub.f32 v12, v3;
	v18 =	vld [tilespmem:s3+$0x0];
	v20 =	vadd.f32 v16, v13  }
0x53: {  	v10 =	vmul.f32 v10, v10;
	v17 =	vadd.f32 v8, v17;
	v15 =	vsub.f32 v15, v2;
	v24 =	vld [tilespmem:s3+$0x20]  }
0x54: {  	v9 =	vmul.f32 v9, v9;
	v21 =	vsub.f32 v21, v4;
	v12 =	vmul.f32 v12, v12;
	v8 =	vld [tilespmem:s3+$0x1080]  }
.Ltmp0:
0x55: {  	v15 =	vmul.f32 v15, v15;
	v13 =	vld [tilespmem:s3+$0x10];
	v16 =	vsub.f32 v14, v2;
	v14 =	vadd.f32 v11, v17;
	(pc) =	sbr.rel @p0 .LBB2_3-.Ltmp0, $4  }
0x56: {  	v26 =	vadd.f32 v7, v10;
	v25 =	vadd.f32 v9, v20;
	v17 =	vmul.f32 v21, v21;
	v11 =	vld [tilespmem:s3+$0x2100]  }
0x57: {  	v7 =	vsub.f32 v19, v2;
	v19 =	vadd.f32 v15, v12;
	v9 =	vld [tilespmem:s3+$0x2110];
	[tilespmem:s0+$0x3180] =	vst v14;
	v6 =	vmin.f32 v6, v14  }
0x58: {  	v20 =	vsub.f32 v22, v4;
	v10 =	vsub.f32 v24, v3;
	v12 =	vld [tilespmem:s3+$0x30];
	[tilespmem:s0+$0x3190] =	vst v25;
	v6 =	vmin.f32 v6, v25  }
0x59: {  	v18 =	vsub.f32 v18, v3;
	v14 =	vadd.f32 v23, v26;
	v7 =	vmul.f32 v7, v7;
	v15 =	vld [tilespmem:s3+$0x10B0]  }
0x5a: {  	_ = 	snop  }
0x5b: {  	v13 =	vsub.f32 v13, v3;
	v16 =	vmul.f32 v16, v16;
	v21 =	vld [tilespmem:s3+$0x2130];
	v8 =	vsub.f32 v8, v2  }
0x5c: {  	v17 =	vadd.f32 v17, v19;
	v62 =	vmul.f32 v20, v20;
	v11 =	vsub.f32 v11, v4  }
0x5d: {  	v18 =	vmul.f32 v18, v18;
	v8 =	vmul.f32 v8, v8;
	v9 =	vsub.f32 v9, v4  }
0x5e: {  	v10 =	vmul.f32 v10, v10;
	v12 =	vsub.f32 v12, v3;
	v15 =	vsub.f32 v15, v2  }
0x5f: {  	v13 =	vmul.f32 v13, v13;
	v11 =	vmul.f32 v11, v11;
	v8 =	vadd.f32 v8, v18  }
0x60: {  	v4 =	vsub.f32 v21, v4;
	v12 =	vmul.f32 v12, v12;
	v15 =	vmul.f32 v15, v15  }
0x61: {  	v7 =	vadd.f32 v7, v10;
	v13 =	vadd.f32 v16, v13;
	v9 =	vmul.f32 v9, v9  }
0x62: {  	v8 =	vadd.f32 v11, v8;
	v4 =	vmul.f32 v4, v4;
	v63 =	vadd.f32 v15, v12  }
0x63: {  	v5 =	vmin.f32 v5, v14;
	v7 =	vadd.f32 v62, v7;
	v9 =	vadd.f32 v9, v13  }
0x64: {  	v5 =	vmin.f32 v5, v17;
	v6 =	vmin.f32 v6, v8;
	v4 =	vadd.f32 v4, v63  }
0x65: {  	v5 =	vmin.f32 v5, v7;
	v6 =	vmin.f32 v6, v9  }
0x66: {  	(xrf1) =	vsort.ascd.msk.f32 $0xffff, v6, v6;
	v5 =	vmin.f32 v5, v4  }
0x67: {  	(xrf1) =	vsort.ascd.msk.f32 $0xffff, v5, v5;
	_ =	sdelay $0xc  }
0x68: {  	v5, _, _ =	vpop (xrf1)  }
0x69: {  	v6, _, _ =	vpop (xrf1)  }
0x6a: {  	v6 =	vperm.xlane v6, v0;
	_ =	sdelay $0x1  }
0x6b: {  	v5 =	vmax.f32 v5, v6  }
0x6c: {  	(xrf1) =	vsort.ascd.msk.f32 $0xffff, v5, v5;
	_ =	sdelay $0x4  }
0x6d: {  	[tilespmem:s0+$0x31A0] =	vst v14  }
0x6e: {  	[tilespmem:s0+$0x31B0] =	vst v17  }
0x6f: {  	[tilespmem:s3+$0x31A0] =	vst v7  }
0x70: {  	[tilespmem:s3+$0x3180] =	vst v8  }
0x71: {  	[tilespmem:s3+$0x3190] =	vst v9  }
0x72: {  	s20 =	simm.s32 $0x3190;
	[tilespmem:s3+$0x31B0] =	vst v4  }
0x73: {  	v6 =	vld [tilespmem:s20+$0xFFFFFFF0]  }
0x74: {  	v5 =	vld [tilespmem:s20+$0x0];
	_ =	sdelay $0x1  }
0x75: {  	v4, _, _ =	vpop (xrf1)  }
0x76: {  	v4 =	vbroadcast v4, $0x3;
	_ =	sdelay $0x1  }
0x77: {  	vm0 =	vle.f32 v6, v4;
	vm1 =	vle.f32 v5, v4  }
0x78: {  	vm0 =	vmor vm0, vm1  }
0x79: {  	v7 =	vsel vm0, $0x3F800000, v1  }
0x7a: {  	(xrf0) =	vmax.scan.msk.f32 $0xffff, v7;
	_ =	sdelay $0x5  }
0x7b: {  	v7, _, _ =	vpop (xrf0)  }
0x7c: {  	(v2sf) =	vpush v7, $0xF;
	_ =	sdelay $0xe  }
0x7d: {  	s21 =	spop (v2sf)  }
0x7e: {  	p0 =	sgt.f32 s21, $0.0e+00;
	_ =	sdelay $0x1  }
0x7f: {  	vm0 =	vle.f32 @p0 v6, v4  }
0x80: {  	v6 =	vmpcnt.ones.xlane @p0 vm0;
	_ =	sdelay $0x1  }
0x81: {  	(v2sf) =	vpush @p0 v6, $0x0;
	_ =	sdelay $0xd  }
0x82: {  	s0 =	simm.s32 $0x0;
	v6 =	vlaneseq.u32 @p0  }
0x83: {  	s3 =	simm.s32 $0x10;
	v7 =	vor.u32 @p0 s0, v6;
	s18 =	spop @p0 (v2sf)  }
0x84: {  	vm1 =	vle.f32 @p0 v5, v4;
	v5 =	vor.u32 @p0 s3, v6;
	[tilespmem:s0+$0x4180] =	vst.msk @p0 vm0, v7;
	s20 =	sadd.s32 @p0 $0x0, s18  }
0x85: {  	s3 =	simm.s32 $0x20;
	s18 =	simm.s32 $0x31B0;
	[tilespmem:s20+$0x4180] =	vst.msk @p0 vm1, v5;
	v5 =	vmpcnt.ones.xlane @p0 vm1  }
.LBB2_5:
0x86: {  	v6 =	vld [tilespmem:s18+$0x0];
	s19 =	smov.u32 s3;
	s3 =	sadd.s32 $0x20, s3  }
0x87: {  	v7 =	vld [tilespmem:s18+$0xFFFFFFF0];
	p1 =	sne.s32 s3, $0x1000;
	(v2sf) =	vpush @p0 v5, $0x0;
	_ =	sdelay $0x4  }
0x88: {  	vm1 =	vle.f32 v6, v4;
	vm0 =	vle.f32 v7, v4  }
0x89: {  	vm0 =	vmor vm0, vm1  }
0x8a: {  	v5 =	vsel vm0, $0x3F800000, v1  }
0x8b: {  	(xrf0) =	vmax.scan.msk.f32 $0xffff, v5;
	_ =	sdelay $0x5  }
0x8c: {  	v5, _, _ =	vpop (xrf0)  }
0x8d: {  	(v2sf) =	vpush v5, $0xF;
	s21 =	spop @p0 (v2sf)  }
0x8e: {  	s20 =	sadd.s32 @p0 s20, s21  }
0x8f: {  	s0 =	smov.u32 @p0 s20;
	_ =	sdelay $0xc  }
0x90: {  	s20 =	spop (v2sf)  }
0x91: {  	p0 =	sgt.f32 s20, $0.0e+00;
	_ =	sdelay $0x1  }
0x92: {  	vm0 =	vle.f32 @p0 v7, v4  }
0x93: {  	v5 =	vmpcnt.ones.xlane @p0 vm0;
	_ =	sdelay $0x1  }
0x94: {  	(v2sf) =	vpush @p0 v5, $0x0;
	_ =	sdelay $0xc  }
.Ltmp1:
0x95: {  	(pc) =	sbr.rel @p1 .LBB2_5-.Ltmp1, $4  }
0x96: {  	v5 =	vlaneseq.u32 @p0  }
0x97: {  	s21 =	sadd.s32 $0x10, s19;
	v7 =	vor.u32 @p0 s19, v5;
	s19 =	spop @p0 (v2sf)  }
0x98: {  	vm1 =	vle.f32 @p0 v6, v4;
	v5 =	vor.u32 @p0 s21, v5;
	[tilespmem:s0+$0x4180] =	vst.msk @p0 vm0, v7;
	s20 =	sadd.s32 @p0 s0, s19  }
0x99: {  	s18 =	sadd.s32 $0x20, s18;
	[tilespmem:s20+$0x4180] =	vst.msk @p0 vm1, v5;
	v5 =	vmpcnt.ones.xlane @p0 vm1  }
0x9a: {  	_ = 	snop  }
0x9b: {  	(v2sf) =	vpush @p0 v5, $0x0;
	_ =	sdelay $0xe  }
0x9c: {  	s3 =	spop @p0 (v2sf)  }
0x9d: {  	s21 =	sshll.u32 s31, $0x7;
	s31 =	sadd.s32 $0x1, s31;
	s3 =	sadd.s32 @p0 s20, s3  }
0x9e: {  	s0 =	smov.u32 @p0 s3;
	p0 =	sne.s32 s31, $0x80  }
.Ltmp2:
0x9f: {  	s0 =	scvt.s32.f32 s0;
	(pc) =	sbr.rel @p0 .LBB2_2-.Ltmp2, $4  }
0xa0: {  	_ = 	snop  }
0xa1: {  	[tilespmem:s21+$0x13880] =	vst v3;
	v4 =	vadd.f32 s0, v4  }
0xa2: {  	[tilespmem:s21+$0x17880] =	vst v2  }
0xa3: {  	[tilespmem:s21+$0xF880] =	vst v4  }
0xa4: {  	[hbm4b:s13+s1] =	stream.linear.scatter [tilespmem:s26], [sflag:$0x1], $0x4000, $0x38;
	[tilespmem:$0x1B880] =	vst v63  }
0xa5: {  	_ =	swait.ge [sflag:s17], $0x4000  }
0xa6: {  	[sflag:s17] =	ssyncset.done $0x0  }
0xa7: {  	[sflag:s17] =	ssyncadd.s32 $0xFFFFC000  }
0xa8: {  	[hbm4b:s14+s1] =	stream.linear.scatter [tilespmem:s28], [sflag:$0x1], $0x4000, $0x38;
	[tilespmem:$0x1B880] =	vst v63  }
0xa9: {  	s30 =	sadd.s32 $0x1, s30;
	_ =	swait.ge [sflag:s17], $0x4000  }
0xaa: {  	p0 =	sne.s32 s30, s16;
	[sflag:s17] =	ssyncset.done $0x0  }
.Ltmp3:
0xab: {  	[sflag:s17] =	ssyncadd.s32 $0xFFFFC000;
	(pc) =	sbr.rel @p0 .LBB2_1-.Ltmp3, $4  }
0xac: {  	[hbm4b:s15+s1] =	stream.linear.scatter [tilespmem:s29], [sflag:$0x1], $0x4000, $0x38;
	[tilespmem:$0x1B880] =	vst v63  }
0xad: {  	_ =	swait.ge [sflag:s17], $0x4000  }
0xae: {  	[sflag:s17] =	ssyncset.done $0x0  }
0xaf: {  	[sflag:s17] =	ssyncadd.s32 $0xFFFFC000  }
0xb0: {  	_ =	sfence.sel $0x180000  }
0xb1: {  	[bflag:$0x0] =	sbarrier.arrive $0xFFFF  }
0xb2: {  	_ =	strace $0x9000004D  }
0xb3: {  	s0 =	stileid.u32;
	[bflag:$0x2] =	sbarrier.arrive $0xFFFF  }
0xb4: {  	p0 =	sne.s32 s0, $0x0;
	s0 =	rddreg [dreg:$0x1]  }
0xb5: {  	s0 =	sadd.s32 @!p0 $0x100000, s0  }
0xb6: {  	[sflag:s0] =	ssyncadd.tile.s32 @!p0 $0x1;
	_ =	shalt  }
.Lfunc_end2:
_tile_overlayer_lowered:
.L_overlay_start_2:
0xb7: {  	(tag) =	ssettag $0x2  }
0xb8: {  	s0 =	rddreg [dreg:$0x0];
	s2 =	stileid.u32  }
0xb9: {  	s1 =	rddreg [dreg:$0x1];
	p0 =	sne.s32 s2, $0x0  }
0xba: {  	s3 =	rddreg [dreg:$0x2];
	[bflag:$0x3] =	sbarrier.arrive $0xFFFF;
	s2 =	simm.s32 @!p0 $0x1C01  }
0xbb: {  	[timem:s3], [sflag:s2] =	dma.local @!p0 [hbm:s0], s1  }
0xbc: {  	s0 =	simm.s32 @!p0 $0x1  }
0xbd: {  	_ =	swait.ge @!p0 [sflag:s0], s1  }
0xbe: {  	s1 =	ssub.s32 @!p0 $0x0, s1;
	[sflag:s0] =	ssyncset.done @!p0 $0x0  }
0xbf: {  	[sflag:s0] =	ssyncadd.s32 @!p0 s1  }
0xc0: {  	[bflag:$0x3] =	sbarrier.arrive $0xFFFF  }
0xc1: {  	_ =	shalt  }

</sc_bundles>
